<compile_context>
chip_gen: v7x
topology: tpu7x:2x2x1
jax: 0.10.2.dev20260603
libtpu: 0.0.44.dev20260713+nightly
codegen_flags: <defaults>
</compile_context>

<pallas_src>
import jax
import jax.numpy as jnp
import numpy as np
from jax import lax
from jax.experimental import pallas as pl
from jax.experimental.pallas import tpu as pltpu

_D_MODEL = 768
_N_EXPERTS = 8
_TOKENS = 32768
_BLOCK = 2048
_NBLK = _TOKENS // _BLOCK
_HW = _BLOCK // 2

_I = np.int32
_SIGN2 = _I(-2147450880)
_MAG2 = _I(0x7FFF7FFF)
_LSB2 = _I(0x00010001)
_RND2 = _I(0x00030003)
_EM2 = _I(0x0FFF0FFF)
_BIAS2 = _I(0x38003800)


def _f16x2_to_bf16x2(xi):
    lsb = lax.bitwise_and(lax.shift_right_logical(xi, _I(3)), _LSB2)
    mag = lax.bitwise_and(xi, _MAG2)
    r = mag + lsb + _RND2
    em = lax.bitwise_and(lax.shift_right_logical(r, _I(3)), _EM2) + _BIAS2
    return lax.bitwise_or(em, lax.bitwise_and(xi, _SIGN2))


def _monotone(b):
    mask = lax.bitwise_and(lax.shift_right_arithmetic(b, _I(31)), _I(0x7FFFFFFF))
    return lax.bitwise_xor(b, mask)


def _smax(v):
    for sh in (1, 2, 4):
        v = jnp.maximum(v, pltpu.roll(v, sh, 0))
    return v


_NBUF = 4


def _router_block(x_any, w_ref, idx_ref, wts_ref, xbuf, sem):
    i = pl.program_id(0)
    xi32 = x_any.bitcast(jnp.int32)

    @pl.when(i == 0)
    def _():
        for b in range(_NBUF - 1):
            pltpu.make_async_copy(
                xi32.at[pl.ds(b * _HW, _HW)], xbuf.at[b], sem.at[b]).start()

    @pl.when(i + _NBUF - 1 < _NBLK)
    def _():
        nxt = (i + _NBUF - 1) % _NBUF
        pltpu.make_async_copy(
            xi32.at[pl.ds((i + _NBUF - 1) * _HW, _HW)],
            xbuf.at[nxt], sem.at[nxt]).start()

    slot = i % _NBUF
    pltpu.make_async_copy(
        xi32.at[pl.ds(i * _HW, _HW)], xbuf.at[slot], sem.at[slot]).wait()

    xi = xbuf[slot]
    xb = pltpu.bitcast(_f16x2_to_bf16x2(xi), jnp.bfloat16)
    w = w_ref[...].astype(jnp.bfloat16)
    scores = lax.dot_general(
        w, xb, dimension_numbers=(((1,), (1,)), ((), ())),
        preferred_element_type=jnp.float32,
    )

    sb = lax.bitcast_convert_type(scores, jnp.int32)
    rev_e = _I(7) - lax.broadcasted_iota(jnp.int32, scores.shape, 0)
    key = lax.bitwise_or(
        lax.bitwise_and(_monotone(sb), _I(-8)), rev_e)
    k1 = _smax(key)
    k2 = _smax(jnp.where(key == k1, _I(-2147483648), key))

    e1 = _I(7) - lax.bitwise_and(k1, _I(7))
    e2 = _I(7) - lax.bitwise_and(k2, _I(7))
    v1 = lax.bitcast_convert_type(
        _monotone(lax.bitwise_and(k1, _I(-8))), jnp.float32)
    v2 = lax.bitcast_convert_type(
        _monotone(lax.bitwise_and(k2, _I(-8))), jnp.float32)
    t = jnp.exp(v2 - v1)
    w1 = 1.0 / (1.0 + t)
    w2 = t / (1.0 + t)

    idx_ref[0:1, :] = e1[0:1, :]
    idx_ref[1:2, :] = e2[0:1, :]
    wts_ref[0:1, :] = w1[0:1, :]
    wts_ref[1:2, :] = w2[0:1, :]


def _pallas_router(xb, W32):
    grid = (_NBLK,)
    idx_t, wts_t = pl.pallas_call(
        _router_block,
        grid=grid,
        in_specs=[
            pl.BlockSpec(memory_space=pl.ANY),
            pl.BlockSpec((_N_EXPERTS, _D_MODEL), lambda i: (0, 0)),
        ],
        out_specs=[
            pl.BlockSpec((2, _BLOCK), lambda i: (0, i)),
            pl.BlockSpec((2, _BLOCK), lambda i: (0, i)),
        ],
        out_shape=[
            jax.ShapeDtypeStruct((2, _TOKENS), jnp.int32),
            jax.ShapeDtypeStruct((2, _TOKENS), jnp.float32),
        ],
        scratch_shapes=[
            pltpu.VMEM((_NBUF, _HW, _D_MODEL), jnp.int32),
            pltpu.SemaphoreType.DMA((_NBUF,)),
        ],
        compiler_params=pltpu.CompilerParams(
            dimension_semantics=("arbitrary",),
        ),
    )(xb, W32)
    return idx_t.T, wts_t.T


from jax.experimental.pallas import tpu_sc as plsc

_SC_C = _TOKENS // 32


def _matmul_block(x_any, w_ref, s_ref, xbuf, sem):
    i = pl.program_id(0)
    xi32 = x_any.bitcast(jnp.int32)

    @pl.when(i == 0)
    def _():
        for b in range(_NBUF - 1):
            pltpu.make_async_copy(
                xi32.at[pl.ds(b * _HW, _HW)], xbuf.at[b], sem.at[b]).start()

    @pl.when(i + _NBUF - 1 < _NBLK)
    def _():
        nxt = (i + _NBUF - 1) % _NBUF
        pltpu.make_async_copy(
            xi32.at[pl.ds((i + _NBUF - 1) * _HW, _HW)],
            xbuf.at[nxt], sem.at[nxt]).start()

    slot = i % _NBUF
    pltpu.make_async_copy(
        xi32.at[pl.ds(i * _HW, _HW)], xbuf.at[slot], sem.at[slot]).wait()

    xi = xbuf[slot]
    xbv = pltpu.bitcast(_f16x2_to_bf16x2(xi), jnp.bfloat16)
    w = w_ref[...].astype(jnp.bfloat16)
    s_ref[...] = lax.dot_general(
        w, xbv, dimension_numbers=(((1,), (1,)), ((), ())),
        preferred_element_type=jnp.float32)


def _pallas_scores(xb, W32):
    return pl.pallas_call(
        _matmul_block,
        grid=(_NBLK,),
        in_specs=[
            pl.BlockSpec(memory_space=pl.ANY),
            pl.BlockSpec((_N_EXPERTS, _D_MODEL), lambda i: (0, 0)),
        ],
        out_specs=pl.BlockSpec((_N_EXPERTS, _BLOCK), lambda i: (0, i)),
        out_shape=jax.ShapeDtypeStruct((_N_EXPERTS, _TOKENS), jnp.float32),
        scratch_shapes=[
            pltpu.VMEM((_NBUF, _HW, _D_MODEL), jnp.int32),
            pltpu.SemaphoreType.DMA((_NBUF,)),
        ],
        compiler_params=pltpu.CompilerParams(
            dimension_semantics=("arbitrary",),
        ),
    )(xb, W32)


def _sc_router(s_hbm, idx_hbm, wts_hbm, s_v, idx_v, wts_v):
    wid = lax.axis_index("s") * 2 + lax.axis_index("c")
    base = wid * _SC_C
    pltpu.sync_copy(s_hbm.at[:, pl.ds(base, _SC_C)], s_v)

    def step(j, _):
        o = j * 16
        s0 = s_v[0, pl.ds(o, 16)]
        m1 = s0
        i1 = jnp.zeros((16,), jnp.int32)
        rows = [s_v[e, pl.ds(o, 16)] for e in range(1, _N_EXPERTS)]
        for e, se in enumerate(rows, start=1):
            gt = se > m1
            m1 = jnp.where(gt, se, m1)
            i1 = jnp.where(gt, jnp.full((16,), e, jnp.int32), i1)
        m2 = jnp.full((16,), -jnp.inf, jnp.float32)
        i2 = jnp.zeros((16,), jnp.int32)
        for e, se in enumerate([s0] + rows):
            live = i1 != e
            se_m = jnp.where(live, se, -jnp.inf)
            gt = se_m > m2
            m2 = jnp.where(gt, se_m, m2)
            i2 = jnp.where(gt, jnp.full((16,), e, jnp.int32), i2)
        t = jnp.exp(m2 - m1)
        w1 = 1.0 / (1.0 + t)
        w2 = t / (1.0 + t)
        idx_v[0, pl.ds(o, 16)] = i1
        idx_v[1, pl.ds(o, 16)] = i2
        wts_v[0, pl.ds(o, 16)] = w1
        wts_v[1, pl.ds(o, 16)] = w2
        return 0

    lax.fori_loop(0, _SC_C // 16, step, 0)
    pltpu.sync_copy(idx_v, idx_hbm.at[:, pl.ds(base, _SC_C)])
    pltpu.sync_copy(wts_v, wts_hbm.at[:, pl.ds(base, _SC_C)])


def _sc_top2(scores):
    import functools
    mesh = plsc.VectorSubcoreMesh(core_axis_name="c", subcore_axis_name="s")
    f = functools.partial(
        pl.kernel,
        out_type=[
            jax.ShapeDtypeStruct((2, _TOKENS), jnp.int32),
            jax.ShapeDtypeStruct((2, _TOKENS), jnp.float32),
        ],
        mesh=mesh,
        scratch_types=[
            pltpu.VMEM((_N_EXPERTS, _SC_C), jnp.float32),
            pltpu.VMEM((2, _SC_C), jnp.int32),
            pltpu.VMEM((2, _SC_C), jnp.float32),
        ],
    )(_sc_router)
    return f(scores)


def kernel(x, W):
    scores = _pallas_scores(
        lax.bitcast_convert_type(x, jnp.bfloat16), W.astype(jnp.float32))
    idx_t, wts_t = _sc_top2(scores)
    return idx_t.T, wts_t.T


def kernel_fused(x, W):
    return _pallas_router(
        lax.bitcast_convert_type(x, jnp.bfloat16), W.astype(jnp.float32))

# --- scband reference (transcript-rebuilt; emitter-appended) ---
"""Pipeline reference for scband-top-krouter-37589553774753 (READ-ONLY COPY).

The authoritative reference and input builder live on the scoring server;
editing this copy changes nothing except your own understanding.
"""

import jax, jax.numpy as jnp
import numpy as np

D_MODEL = 768
N_EXPERTS = 8
TOP_K = 2
TOKENS = 32768


def setup_inputs(seed: int = 0) -> dict:
    key = jax.random.key(seed)
    k1, k2 = jax.random.split(key)
    x = jax.random.normal(k1, (TOKENS, D_MODEL), dtype=jnp.float16)
    # nn.Linear(d_model, n_experts, bias=False) weight: [n_experts, d_model], kaiming-uniform-ish scale
    bound = 1.0 / np.sqrt(D_MODEL)
    W = (jax.random.uniform(k2, (N_EXPERTS, D_MODEL), dtype=jnp.float32, minval=-bound, maxval=bound)).astype(jnp.float16)
    return {"x": x, "W": W}


def reference(x, W):
    # scores = self.proj(x).to(float32); proj is fp16 matmul
    scores = jnp.matmul(x, W.T).astype(jnp.float32)
    topk_vals, topk_idx = jax.lax.top_k(scores, TOP_K)
    topk_w = jax.nn.softmax(topk_vals, axis=-1)
    return (topk_idx.astype(jnp.int32), topk_w.astype(jnp.float32))

if __name__ == "__main__":
    import jax
    _d = setup_inputs()
    print(jax.jit(kernel)(*tuple(_d.values())))

</pallas_src>

<mosaic_0001>
#map = affine_map<(d0, d1) -> (0, 0)>
module attributes {stable_mosaic.version = 14 : i64} {
  func.func @_sc_router(%arg0: i32, %arg1: i32, %arg2: memref<8x32768xf32, #tpu.memory_space<hbm>>, %arg3: memref<2x32768xi32, #tpu.memory_space<hbm>>, %arg4: memref<2x32768xf32, #tpu.memory_space<hbm>>, %arg5: memref<8x1024xf32, #tpu.memory_space<vmem>>, %arg6: memref<2x1024xi32, #tpu.memory_space<vmem>>, %arg7: memref<2x1024xf32, #tpu.memory_space<vmem>>) attributes {dimension_semantics = [#tpu.dimension_semantics<core_parallel>, #tpu.dimension_semantics<subcore_parallel>], iteration_bounds = array<i64: 2, 16>, scalar_prefetch = 0 : i64, scratch_operands = 3 : i64, tpu.core_type = #tpu.core_type<sc_vector_subcore>, window_params = [{transform_indices = #map}, {transform_indices = #map}, {transform_indices = #map}]} {
    %mul3A = arith.constant 2 : i32
    %mul3A_0 = arith.muli %arg1, %mul3A : i32
    %add3A = arith.addi %mul3A_0, %arg0 : i32
    %mul3A_1 = arith.constant 1024 : i32
    %mul3A_2 = arith.muli %add3A, %mul3A_1 : i32
    "tpu.region"() ({
      %run_scoped3A = tpu.sem_alloc : memref<!tpu.dma_semaphore, #tpu.memory_space<semaphore_mem>>
      %dma_start3A = arith.constant 0 : i32
      %dma_start3A_9 = tpu.memref_slice %arg2[%dma_start3A, %mul3A_2] : memref<8x32768xf32, #tpu.memory_space<hbm>> -> memref<8x1024xf32, #tpu.memory_space<hbm>>
      %dma_start3A_10 = arith.constant 0 : i32
      %dma_start3A_11 = tpu.memref_slice %arg2[%dma_start3A_10, %mul3A_2] : memref<8x32768xf32, #tpu.memory_space<hbm>> -> memref<8x1024xf32, #tpu.memory_space<hbm>>
      tpu.enqueue_dma source(%dma_start3A_11 : memref<8x1024xf32, #tpu.memory_space<hbm>>) target(%arg5 : memref<8x1024xf32, #tpu.memory_space<vmem>>) target_semaphore(%run_scoped3A : memref<!tpu.dma_semaphore, #tpu.memory_space<semaphore_mem>>)
      %dma_wait3A = arith.constant 0 : i32
      %dma_wait3A_12 = tpu.memref_slice %arg2[%dma_wait3A, %mul3A_2] : memref<8x32768xf32, #tpu.memory_space<hbm>> -> memref<8x1024xf32, #tpu.memory_space<hbm>>
      %dma_wait3A_13 = arith.constant 0 : i32
      %dma_wait3A_14 = tpu.memref_slice %arg2[%dma_wait3A_13, %mul3A_2] : memref<8x32768xf32, #tpu.memory_space<hbm>> -> memref<8x1024xf32, #tpu.memory_space<hbm>>
      tpu.wait_dma2 semaphore(%run_scoped3A : memref<!tpu.dma_semaphore, #tpu.memory_space<semaphore_mem>>) src(%dma_wait3A_14 : memref<8x1024xf32, #tpu.memory_space<hbm>>) dst(%arg5 : memref<8x1024xf32, #tpu.memory_space<vmem>>)
      tpu.yield
    }) : () -> ()
    %scan3A = arith.constant 0 : i32
    %scan3A_3 = arith.constant 0 : i32
    %scan3A_4 = arith.constant 64 : i32
    %scan3A_5 = arith.addi %scan3A_3, %scan3A_4 : i32
    %scan3A_6 = arith.constant 1 : i32
    %scan3A_7 = scf.for %scan3A_9 = %scan3A_3 to %scan3A_5 step %scan3A_6 iter_args(%scan3A_10 = %scan3A) -> (i32)  : i32 {
      %mul3A_11 = arith.constant 16 : i32
      %mul3A_12 = arith.muli %scan3A_9, %mul3A_11 : i32
      %get3A = arith.constant 0 : i32
      %get3A_13 = arith.index_cast %get3A : i32 to index
      %get3A_14 = arith.index_cast %mul3A_12 : i32 to index
      %get3A_15 = tpu.vector_load %arg5[%get3A_13, %get3A_14] {strides = array<i32>} : memref<8x1024xf32, #tpu.memory_space<vmem>>, vector<1x16xf32>,
      %get3A_16 = vector.shape_cast %get3A_15 : vector<1x16xf32> to vector<16xf32>
      %broadcast_in_dim3A = arith.constant 0 : i32
      %broadcast_in_dim3A_17 = vector.broadcast %broadcast_in_dim3A : i32 to vector<16xi32>
      %get3A_18 = arith.constant 1 : i32
      %get3A_19 = arith.index_cast %get3A_18 : i32 to index
      %get3A_20 = arith.index_cast %mul3A_12 : i32 to index
      %get3A_21 = tpu.vector_load %arg5[%get3A_19, %get3A_20] {strides = array<i32>} : memref<8x1024xf32, #tpu.memory_space<vmem>>, vector<1x16xf32>,
      %get3A_22 = vector.shape_cast %get3A_21 : vector<1x16xf32> to vector<16xf32>
      %get3A_23 = arith.constant 2 : i32
      %get3A_24 = arith.index_cast %get3A_23 : i32 to index
      %get3A_25 = arith.index_cast %mul3A_12 : i32 to index
      %get3A_26 = tpu.vector_load %arg5[%get3A_24, %get3A_25] {strides = array<i32>} : memref<8x1024xf32, #tpu.memory_space<vmem>>, vector<1x16xf32>,
      %get3A_27 = vector.shape_cast %get3A_26 : vector<1x16xf32> to vector<16xf32>
      %get3A_28 = arith.constant 3 : i32
      %get3A_29 = arith.index_cast %get3A_28 : i32 to index
      %get3A_30 = arith.index_cast %mul3A_12 : i32 to index
      %get3A_31 = tpu.vector_load %arg5[%get3A_29, %get3A_30] {strides = array<i32>} : memref<8x1024xf32, #tpu.memory_space<vmem>>, vector<1x16xf32>,
      %get3A_32 = vector.shape_cast %get3A_31 : vector<1x16xf32> to vector<16xf32>
      %get3A_33 = arith.constant 4 : i32
      %get3A_34 = arith.index_cast %get3A_33 : i32 to index
      %get3A_35 = arith.index_cast %mul3A_12 : i32 to index
      %get3A_36 = tpu.vector_load %arg5[%get3A_34, %get3A_35] {strides = array<i32>} : memref<8x1024xf32, #tpu.memory_space<vmem>>, vector<1x16xf32>,
      %get3A_37 = vector.shape_cast %get3A_36 : vector<1x16xf32> to vector<16xf32>
      %get3A_38 = arith.constant 5 : i32
      %get3A_39 = arith.index_cast %get3A_38 : i32 to index
      %get3A_40 = arith.index_cast %mul3A_12 : i32 to index
      %get3A_41 = tpu.vector_load %arg5[%get3A_39, %get3A_40] {strides = array<i32>} : memref<8x1024xf32, #tpu.memory_space<vmem>>, vector<1x16xf32>,
      %get3A_42 = vector.shape_cast %get3A_41 : vector<1x16xf32> to vector<16xf32>
      %get3A_43 = arith.constant 6 : i32
      %get3A_44 = arith.index_cast %get3A_43 : i32 to index
      %get3A_45 = arith.index_cast %mul3A_12 : i32 to index
      %get3A_46 = tpu.vector_load %arg5[%get3A_44, %get3A_45] {strides = array<i32>} : memref<8x1024xf32, #tpu.memory_space<vmem>>, vector<1x16xf32>,
      %get3A_47 = vector.shape_cast %get3A_46 : vector<1x16xf32> to vector<16xf32>
      %get3A_48 = arith.constant 7 : i32
      %get3A_49 = arith.index_cast %get3A_48 : i32 to index
      %get3A_50 = arith.index_cast %mul3A_12 : i32 to index
      %get3A_51 = tpu.vector_load %arg5[%get3A_49, %get3A_50] {strides = array<i32>} : memref<8x1024xf32, #tpu.memory_space<vmem>>, vector<1x16xf32>,
      %get3A_52 = vector.shape_cast %get3A_51 : vector<1x16xf32> to vector<16xf32>
      %gt3A = arith.cmpf ogt, %get3A_22, %get3A_16 : vector<16xf32>
      %select_n3A = arith.select %gt3A, %get3A_22, %get3A_16 : vector<16xi1>, vector<16xf32>
      %broadcast_in_dim3A_53 = arith.constant 1 : i32
      %broadcast_in_dim3A_54 = vector.broadcast %broadcast_in_dim3A_53 : i32 to vector<16xi32>
      %select_n3A_55 = arith.select %gt3A, %broadcast_in_dim3A_54, %broadcast_in_dim3A_17 : vector<16xi1>, vector<16xi32>
      %gt3A_56 = arith.cmpf ogt, %get3A_27, %select_n3A : vector<16xf32>
      %select_n3A_57 = arith.select %gt3A_56, %get3A_27, %select_n3A : vector<16xi1>, vector<16xf32>
      %broadcast_in_dim3A_58 = arith.constant 2 : i32
      %broadcast_in_dim3A_59 = vector.broadcast %broadcast_in_dim3A_58 : i32 to vector<16xi32>
      %select_n3A_60 = arith.select %gt3A_56, %broadcast_in_dim3A_59, %select_n3A_55 : vector<16xi1>, vector<16xi32>
      %gt3A_61 = arith.cmpf ogt, %get3A_32, %select_n3A_57 : vector<16xf32>
      %select_n3A_62 = arith.select %gt3A_61, %get3A_32, %select_n3A_57 : vector<16xi1>, vector<16xf32>
      %broadcast_in_dim3A_63 = arith.constant 3 : i32
      %broadcast_in_dim3A_64 = vector.broadcast %broadcast_in_dim3A_63 : i32 to vector<16xi32>
      %select_n3A_65 = arith.select %gt3A_61, %broadcast_in_dim3A_64, %select_n3A_60 : vector<16xi1>, vector<16xi32>
      %gt3A_66 = arith.cmpf ogt, %get3A_37, %select_n3A_62 : vector<16xf32>
      %select_n3A_67 = arith.select %gt3A_66, %get3A_37, %select_n3A_62 : vector<16xi1>, vector<16xf32>
      %broadcast_in_dim3A_68 = arith.constant 4 : i32
      %broadcast_in_dim3A_69 = vector.broadcast %broadcast_in_dim3A_68 : i32 to vector<16xi32>
      %select_n3A_70 = arith.select %gt3A_66, %broadcast_in_dim3A_69, %select_n3A_65 : vector<16xi1>, vector<16xi32>
      %gt3A_71 = arith.cmpf ogt, %get3A_42, %select_n3A_67 : vector<16xf32>
      %select_n3A_72 = arith.select %gt3A_71, %get3A_42, %select_n3A_67 : vector<16xi1>, vector<16xf32>
      %broadcast_in_dim3A_73 = arith.constant 5 : i32
      %broadcast_in_dim3A_74 = vector.broadcast %broadcast_in_dim3A_73 : i32 to vector<16xi32>
      %select_n3A_75 = arith.select %gt3A_71, %broadcast_in_dim3A_74, %select_n3A_70 : vector<16xi1>, vector<16xi32>
      %gt3A_76 = arith.cmpf ogt, %get3A_47, %select_n3A_72 : vector<16xf32>
      %select_n3A_77 = arith.select %gt3A_76, %get3A_47, %select_n3A_72 : vector<16xi1>, vector<16xf32>
      %broadcast_in_dim3A_78 = arith.constant 6 : i32
      %broadcast_in_dim3A_79 = vector.broadcast %broadcast_in_dim3A_78 : i32 to vector<16xi32>
      %select_n3A_80 = arith.select %gt3A_76, %broadcast_in_dim3A_79, %select_n3A_75 : vector<16xi1>, vector<16xi32>
      %gt3A_81 = arith.cmpf ogt, %get3A_52, %select_n3A_77 : vector<16xf32>
      %select_n3A_82 = arith.select %gt3A_81, %get3A_52, %select_n3A_77 : vector<16xi1>, vector<16xf32>
      %broadcast_in_dim3A_83 = arith.constant 7 : i32
      %broadcast_in_dim3A_84 = vector.broadcast %broadcast_in_dim3A_83 : i32 to vector<16xi32>
      %select_n3A_85 = arith.select %gt3A_81, %broadcast_in_dim3A_84, %select_n3A_80 : vector<16xi1>, vector<16xi32>
      %broadcast_in_dim3A_86 = arith.constant 0xFF800000 : f32
      %broadcast_in_dim3A_87 = vector.broadcast %broadcast_in_dim3A_86 : f32 to vector<16xf32>
      %broadcast_in_dim3A_88 = arith.constant 0 : i32
      %broadcast_in_dim3A_89 = vector.broadcast %broadcast_in_dim3A_88 : i32 to vector<16xi32>
      %ne3A = arith.constant 0 : i32
      %ne3A_90 = vector.broadcast %ne3A : i32 to vector<16xi32>
      %ne3A_91 = arith.cmpi ne, %select_n3A_85, %ne3A_90 : vector<16xi32>
      %jit3A = arith.constant 0xFF800000 : f32
      %broadcast_in_dim3A_92 = vector.broadcast %jit3A : f32 to vector<16xf32>
      %select_n3A_93 = arith.select %ne3A_91, %get3A_16, %broadcast_in_dim3A_92 : vector<16xi1>, vector<16xf32>
      %gt3A_94 = arith.cmpf ogt, %select_n3A_93, %broadcast_in_dim3A_87 : vector<16xf32>
      %select_n3A_95 = arith.select %gt3A_94, %select_n3A_93, %broadcast_in_dim3A_87 : vector<16xi1>, vector<16xf32>
      %broadcast_in_dim3A_96 = arith.constant 0 : i32
      %broadcast_in_dim3A_97 = vector.broadcast %broadcast_in_dim3A_96 : i32 to vector<16xi32>
      %select_n3A_98 = arith.select %gt3A_94, %broadcast_in_dim3A_97, %broadcast_in_dim3A_89 : vector<16xi1>, vector<16xi32>
      %ne3A_99 = arith.constant 1 : i32
      %ne3A_100 = vector.broadcast %ne3A_99 : i32 to vector<16xi32>
      %ne3A_101 = arith.cmpi ne, %select_n3A_85, %ne3A_100 : vector<16xi32>
      %jit3A_102 = arith.constant 0xFF800000 : f32
      %broadcast_in_dim3A_103 = vector.broadcast %jit3A_102 : f32 to vector<16xf32>
      %select_n3A_104 = arith.select %ne3A_101, %get3A_22, %broadcast_in_dim3A_103 : vector<16xi1>, vector<16xf32>
      %gt3A_105 = arith.cmpf ogt, %select_n3A_104, %select_n3A_95 : vector<16xf32>
      %select_n3A_106 = arith.select %gt3A_105, %select_n3A_104, %select_n3A_95 : vector<16xi1>, vector<16xf32>
      %broadcast_in_dim3A_107 = arith.constant 1 : i32
      %broadcast_in_dim3A_108 = vector.broadcast %broadcast_in_dim3A_107 : i32 to vector<16xi32>
      %select_n3A_109 = arith.select %gt3A_105, %broadcast_in_dim3A_108, %select_n3A_98 : vector<16xi1>, vector<16xi32>
      %ne3A_110 = arith.constant 2 : i32
      %ne3A_111 = vector.broadcast %ne3A_110 : i32 to vector<16xi32>
      %ne3A_112 = arith.cmpi ne, %select_n3A_85, %ne3A_111 : vector<16xi32>
      %jit3A_113 = arith.constant 0xFF800000 : f32
      %broadcast_in_dim3A_114 = vector.broadcast %jit3A_113 : f32 to vector<16xf32>
      %select_n3A_115 = arith.select %ne3A_112, %get3A_27, %broadcast_in_dim3A_114 : vector<16xi1>, vector<16xf32>
      %gt3A_116 = arith.cmpf ogt, %select_n3A_115, %select_n3A_106 : vector<16xf32>
      %select_n3A_117 = arith.select %gt3A_116, %select_n3A_115, %select_n3A_106 : vector<16xi1>, vector<16xf32>
      %broadcast_in_dim3A_118 = arith.constant 2 : i32
      %broadcast_in_dim3A_119 = vector.broadcast %broadcast_in_dim3A_118 : i32 to vector<16xi32>
      %select_n3A_120 = arith.select %gt3A_116, %broadcast_in_dim3A_119, %select_n3A_109 : vector<16xi1>, vector<16xi32>
      %ne3A_121 = arith.constant 3 : i32
      %ne3A_122 = vector.broadcast %ne3A_121 : i32 to vector<16xi32>
      %ne3A_123 = arith.cmpi ne, %select_n3A_85, %ne3A_122 : vector<16xi32>
      %jit3A_124 = arith.constant 0xFF800000 : f32
      %broadcast_in_dim3A_125 = vector.broadcast %jit3A_124 : f32 to vector<16xf32>
      %select_n3A_126 = arith.select %ne3A_123, %get3A_32, %broadcast_in_dim3A_125 : vector<16xi1>, vector<16xf32>
      %gt3A_127 = arith.cmpf ogt, %select_n3A_126, %select_n3A_117 : vector<16xf32>
      %select_n3A_128 = arith.select %gt3A_127, %select_n3A_126, %select_n3A_117 : vector<16xi1>, vector<16xf32>
      %broadcast_in_dim3A_129 = arith.constant 3 : i32
      %broadcast_in_dim3A_130 = vector.broadcast %broadcast_in_dim3A_129 : i32 to vector<16xi32>
      %select_n3A_131 = arith.select %gt3A_127, %broadcast_in_dim3A_130, %select_n3A_120 : vector<16xi1>, vector<16xi32>
      %ne3A_132 = arith.constant 4 : i32
      %ne3A_133 = vector.broadcast %ne3A_132 : i32 to vector<16xi32>
      %ne3A_134 = arith.cmpi ne, %select_n3A_85, %ne3A_133 : vector<16xi32>
      %jit3A_135 = arith.constant 0xFF800000 : f32
      %broadcast_in_dim3A_136 = vector.broadcast %jit3A_135 : f32 to vector<16xf32>
      %select_n3A_137 = arith.select %ne3A_134, %get3A_37, %broadcast_in_dim3A_136 : vector<16xi1>, vector<16xf32>
      %gt3A_138 = arith.cmpf ogt, %select_n3A_137, %select_n3A_128 : vector<16xf32>
      %select_n3A_139 = arith.select %gt3A_138, %select_n3A_137, %select_n3A_128 : vector<16xi1>, vector<16xf32>
      %broadcast_in_dim3A_140 = arith.constant 4 : i32
      %broadcast_in_dim3A_141 = vector.broadcast %broadcast_in_dim3A_140 : i32 to vector<16xi32>
      %select_n3A_142 = arith.select %gt3A_138, %broadcast_in_dim3A_141, %select_n3A_131 : vector<16xi1>, vector<16xi32>
      %ne3A_143 = arith.constant 5 : i32
      %ne3A_144 = vector.broadcast %ne3A_143 : i32 to vector<16xi32>
      %ne3A_145 = arith.cmpi ne, %select_n3A_85, %ne3A_144 : vector<16xi32>
      %jit3A_146 = arith.constant 0xFF800000 : f32
      %broadcast_in_dim3A_147 = vector.broadcast %jit3A_146 : f32 to vector<16xf32>
      %select_n3A_148 = arith.select %ne3A_145, %get3A_42, %broadcast_in_dim3A_147 : vector<16xi1>, vector<16xf32>
      %gt3A_149 = arith.cmpf ogt, %select_n3A_148, %select_n3A_139 : vector<16xf32>
      %select_n3A_150 = arith.select %gt3A_149, %select_n3A_148, %select_n3A_139 : vector<16xi1>, vector<16xf32>
      %broadcast_in_dim3A_151 = arith.constant 5 : i32
      %broadcast_in_dim3A_152 = vector.broadcast %broadcast_in_dim3A_151 : i32 to vector<16xi32>
      %select_n3A_153 = arith.select %gt3A_149, %broadcast_in_dim3A_152, %select_n3A_142 : vector<16xi1>, vector<16xi32>
      %ne3A_154 = arith.constant 6 : i32
      %ne3A_155 = vector.broadcast %ne3A_154 : i32 to vector<16xi32>
      %ne3A_156 = arith.cmpi ne, %select_n3A_85, %ne3A_155 : vector<16xi32>
      %jit3A_157 = arith.constant 0xFF800000 : f32
      %broadcast_in_dim3A_158 = vector.broadcast %jit3A_157 : f32 to vector<16xf32>
      %select_n3A_159 = arith.select %ne3A_156, %get3A_47, %broadcast_in_dim3A_158 : vector<16xi1>, vector<16xf32>
      %gt3A_160 = arith.cmpf ogt, %select_n3A_159, %select_n3A_150 : vector<16xf32>
      %select_n3A_161 = arith.select %gt3A_160, %select_n3A_159, %select_n3A_150 : vector<16xi1>, vector<16xf32>
      %broadcast_in_dim3A_162 = arith.constant 6 : i32
      %broadcast_in_dim3A_163 = vector.broadcast %broadcast_in_dim3A_162 : i32 to vector<16xi32>
      %select_n3A_164 = arith.select %gt3A_160, %broadcast_in_dim3A_163, %select_n3A_153 : vector<16xi1>, vector<16xi32>
      %ne3A_165 = arith.constant 7 : i32
      %ne3A_166 = vector.broadcast %ne3A_165 : i32 to vector<16xi32>
      %ne3A_167 = arith.cmpi ne, %select_n3A_85, %ne3A_166 : vector<16xi32>
      %jit3A_168 = arith.constant 0xFF800000 : f32
      %broadcast_in_dim3A_169 = vector.broadcast %jit3A_168 : f32 to vector<16xf32>
      %select_n3A_170 = arith.select %ne3A_167, %get3A_52, %broadcast_in_dim3A_169 : vector<16xi1>, vector<16xf32>
      %gt3A_171 = arith.cmpf ogt, %select_n3A_170, %select_n3A_161 : vector<16xf32>
      %select_n3A_172 = arith.select %gt3A_171, %select_n3A_170, %select_n3A_161 : vector<16xi1>, vector<16xf32>
      %broadcast_in_dim3A_173 = arith.constant 7 : i32
      %broadcast_in_dim3A_174 = vector.broadcast %broadcast_in_dim3A_173 : i32 to vector<16xi32>
      %select_n3A_175 = arith.select %gt3A_171, %broadcast_in_dim3A_174, %select_n3A_164 : vector<16xi1>, vector<16xi32>
      %sub3A = arith.subf %select_n3A_172, %select_n3A_82 : vector<16xf32>
      %exp3A = math.exp %sub3A : vector<16xf32>
      %add3A_176 = arith.constant 1.000000e+00 : f32
      %add3A_177 = vector.broadcast %add3A_176 : f32 to vector<16xf32>
      %add3A_178 = arith.addf %add3A_177, %exp3A : vector<16xf32>
      %div3A = arith.constant 1.000000e+00 : f32
      %div3A_179 = vector.broadcast %div3A : f32 to vector<16xf32>
      %div3A_180 = arith.divf %div3A_179, %add3A_178 : vector<16xf32>
      %add3A_181 = arith.constant 1.000000e+00 : f32
      %add3A_182 = vector.broadcast %add3A_181 : f32 to vector<16xf32>
      %add3A_183 = arith.addf %add3A_182, %exp3A : vector<16xf32>
      %div3A_184 = arith.divf %exp3A, %add3A_183 : vector<16xf32>
      %swap3A = arith.constant 0 : i32
      %swap3A_185 = arith.index_cast %swap3A : i32 to index
      %swap3A_186 = arith.index_cast %mul3A_12 : i32 to index
      %swap3A_187 = tpu.vector_load %arg6[%swap3A_185, %swap3A_186] {strides = array<i32>} : memref<2x1024xi32, #tpu.memory_space<vmem>>, vector<1x16xi32>,
      %swap3A_188 = vector.shape_cast %swap3A_187 : vector<1x16xi32> to vector<16xi32>
      %swap3A_189 = vector.shape_cast %select_n3A_85 : vector<16xi32> to vector<1x16xi32>
      tpu.vector_store %arg6[%swap3A_185, %swap3A_186], %swap3A_189 {strides = array<i32>} : memref<2x1024xi32, #tpu.memory_space<vmem>>, vector<1x16xi32>,
      %swap3A_190 = arith.constant 1 : i32
      %swap3A_191 = arith.index_cast %swap3A_190 : i32 to index
      %swap3A_192 = arith.index_cast %mul3A_12 : i32 to index
      %swap3A_193 = tpu.vector_load %arg6[%swap3A_191, %swap3A_192] {strides = array<i32>} : memref<2x1024xi32, #tpu.memory_space<vmem>>, vector<1x16xi32>,
      %swap3A_194 = vector.shape_cast %swap3A_193 : vector<1x16xi32> to vector<16xi32>
      %swap3A_195 = vector.shape_cast %select_n3A_175 : vector<16xi32> to vector<1x16xi32>
      tpu.vector_store %arg6[%swap3A_191, %swap3A_192], %swap3A_195 {strides = array<i32>} : memref<2x1024xi32, #tpu.memory_space<vmem>>, vector<1x16xi32>,
      %swap3A_196 = arith.constant 0 : i32
      %swap3A_197 = arith.index_cast %swap3A_196 : i32 to index
      %swap3A_198 = arith.index_cast %mul3A_12 : i32 to index
      %swap3A_199 = tpu.vector_load %arg7[%swap3A_197, %swap3A_198] {strides = array<i32>} : memref<2x1024xf32, #tpu.memory_space<vmem>>, vector<1x16xf32>,
      %swap3A_200 = vector.shape_cast %swap3A_199 : vector<1x16xf32> to vector<16xf32>
      %swap3A_201 = vector.shape_cast %div3A_180 : vector<16xf32> to vector<1x16xf32>
      tpu.vector_store %arg7[%swap3A_197, %swap3A_198], %swap3A_201 {strides = array<i32>} : memref<2x1024xf32, #tpu.memory_space<vmem>>, vector<1x16xf32>,
      %swap3A_202 = arith.constant 1 : i32
      %swap3A_203 = arith.index_cast %swap3A_202 : i32 to index
      %swap3A_204 = arith.index_cast %mul3A_12 : i32 to index
      %swap3A_205 = tpu.vector_load %arg7[%swap3A_203, %swap3A_204] {strides = array<i32>} : memref<2x1024xf32, #tpu.memory_space<vmem>>, vector<1x16xf32>,
      %swap3A_206 = vector.shape_cast %swap3A_205 : vector<1x16xf32> to vector<16xf32>
      %swap3A_207 = vector.shape_cast %div3A_184 : vector<16xf32> to vector<1x16xf32>
      tpu.vector_store %arg7[%swap3A_203, %swap3A_204], %swap3A_207 {strides = array<i32>} : memref<2x1024xf32, #tpu.memory_space<vmem>>, vector<1x16xf32>,
      %scan3A_208 = arith.constant 0 : i32
      scf.yield %scan3A_208 : i32
    }
    %scan3A_8 = arith.constant 64 : i32
    "tpu.region"() ({
      %run_scoped3A = tpu.sem_alloc : memref<!tpu.dma_semaphore, #tpu.memory_space<semaphore_mem>>
      %dma_start3A = arith.constant 0 : i32
      %dma_start3A_9 = tpu.memref_slice %arg3[%dma_start3A, %mul3A_2] : memref<2x32768xi32, #tpu.memory_space<hbm>> -> memref<2x1024xi32, #tpu.memory_space<hbm>>
      %dma_start3A_10 = arith.constant 0 : i32
      %dma_start3A_11 = tpu.memref_slice %arg3[%dma_start3A_10, %mul3A_2] : memref<2x32768xi32, #tpu.memory_space<hbm>> -> memref<2x1024xi32, #tpu.memory_space<hbm>>
      tpu.enqueue_dma source(%arg6 : memref<2x1024xi32, #tpu.memory_space<vmem>>) target(%dma_start3A_11 : memref<2x1024xi32, #tpu.memory_space<hbm>>) target_semaphore(%run_scoped3A : memref<!tpu.dma_semaphore, #tpu.memory_space<semaphore_mem>>)
      %dma_wait3A = arith.constant 0 : i32
      %dma_wait3A_12 = tpu.memref_slice %arg3[%dma_wait3A, %mul3A_2] : memref<2x32768xi32, #tpu.memory_space<hbm>> -> memref<2x1024xi32, #tpu.memory_space<hbm>>
      %dma_wait3A_13 = arith.constant 0 : i32
      %dma_wait3A_14 = tpu.memref_slice %arg3[%dma_wait3A_13, %mul3A_2] : memref<2x32768xi32, #tpu.memory_space<hbm>> -> memref<2x1024xi32, #tpu.memory_space<hbm>>
      tpu.wait_dma2 semaphore(%run_scoped3A : memref<!tpu.dma_semaphore, #tpu.memory_space<semaphore_mem>>) src(%arg6 : memref<2x1024xi32, #tpu.memory_space<vmem>>) dst(%dma_wait3A_14 : memref<2x1024xi32, #tpu.memory_space<hbm>>)
      tpu.yield
    }) : () -> ()
    "tpu.region"() ({
      %run_scoped3A = tpu.sem_alloc : memref<!tpu.dma_semaphore, #tpu.memory_space<semaphore_mem>>
      %dma_start3A = arith.constant 0 : i32
      %dma_start3A_9 = tpu.memref_slice %arg4[%dma_start3A, %mul3A_2] : memref<2x32768xf32, #tpu.memory_space<hbm>> -> memref<2x1024xf32, #tpu.memory_space<hbm>>
      %dma_start3A_10 = arith.constant 0 : i32
      %dma_start3A_11 = tpu.memref_slice %arg4[%dma_start3A_10, %mul3A_2] : memref<2x32768xf32, #tpu.memory_space<hbm>> -> memref<2x1024xf32, #tpu.memory_space<hbm>>
      tpu.enqueue_dma source(%arg7 : memref<2x1024xf32, #tpu.memory_space<vmem>>) target(%dma_start3A_11 : memref<2x1024xf32, #tpu.memory_space<hbm>>) target_semaphore(%run_scoped3A : memref<!tpu.dma_semaphore, #tpu.memory_space<semaphore_mem>>)
      %dma_wait3A = arith.constant 0 : i32
      %dma_wait3A_12 = tpu.memref_slice %arg4[%dma_wait3A, %mul3A_2] : memref<2x32768xf32, #tpu.memory_space<hbm>> -> memref<2x1024xf32, #tpu.memory_space<hbm>>
      %dma_wait3A_13 = arith.constant 0 : i32
      %dma_wait3A_14 = tpu.memref_slice %arg4[%dma_wait3A_13, %mul3A_2] : memref<2x32768xf32, #tpu.memory_space<hbm>> -> memref<2x1024xf32, #tpu.memory_space<hbm>>
      tpu.wait_dma2 semaphore(%run_scoped3A : memref<!tpu.dma_semaphore, #tpu.memory_space<semaphore_mem>>) src(%arg7 : memref<2x1024xf32, #tpu.memory_space<vmem>>) dst(%dma_wait3A_14 : memref<2x1024xf32, #tpu.memory_space<hbm>>)
      tpu.yield
    }) : () -> ()
    return
  }
}

module attributes {stable_mosaic.version = 14 : i64} {
  func.func @_matmul_block(%arg0: i32, %arg1: memref<32768x768xbf16, #tpu.memory_space<any>>, %arg2: memref<8x768xf32, #tpu.memory_space<vmem>>, %arg3: memref<8x2048xf32, #tpu.memory_space<vmem>>, %arg4: memref<4x1024x768xi32, #tpu.memory_space<vmem>>, %arg5: memref<4x!tpu.dma_semaphore, #tpu.memory_space<semaphore_mem>>) attributes {dimension_semantics = [#tpu.dimension_semantics<arbitrary>], iteration_bounds = array<i64: 16>, scalar_prefetch = 0 : i64, scratch_operands = 2 : i64, tpu.core_type = #tpu.core_type<tc>, window_params = [{}, {pipeline_mode = #tpu.pipeline_mode<synchronous>, transform_indices = @transform_1, window_bounds = array<i64: 8, 768>}, {transform_indices = @transform_2, window_bounds = array<i64: 8, 2048>}]} {
    %eq3A = arith.constant 0 : i32
    %eq3A_0 = arith.cmpi eq, %arg0, %eq3A : i32
    %convert_element_type3A = arith.extui %eq3A_0 : i1 to i32
    %cond3A = arith.constant 0 : i32
    %cond3A_1 = arith.cmpi ne, %convert_element_type3A, %cond3A : i32
    scf.if %cond3A_1 {
      %dma_start3A = arith.constant 0 : i32
      %dma_start3A_63 = arith.constant 0 : i32
      %dma_start3A_64 = tpu.memref_slice %arg5[%dma_start3A_63] : memref<4x!tpu.dma_semaphore, #tpu.memory_space<semaphore_mem>> -> memref<1x!tpu.dma_semaphore, #tpu.memory_space<semaphore_mem>>
      %dma_start3A_65 = tpu.memref_squeeze %dma_start3A_64 : memref<1x!tpu.dma_semaphore, #tpu.memory_space<semaphore_mem>> -> memref<!tpu.dma_semaphore, #tpu.memory_space<semaphore_mem>>
      %dma_start3A_66 = arith.constant 0 : i32
      %dma_start3A_67 = arith.constant 0 : i32
      %dma_start3A_68 = tpu.memref_slice %arg4[%dma_start3A, %dma_start3A_66, %dma_start3A_67] : memref<4x1024x768xi32, #tpu.memory_space<vmem>> -> memref<1x1024x768xi32, #tpu.memory_space<vmem>>
      %dma_start3A_69 = tpu.memref_squeeze %dma_start3A_68 : memref<1x1024x768xi32, #tpu.memory_space<vmem>> -> memref<1024x768xi32, #tpu.memory_space<vmem>>
      %dma_start3A_70 = tpu.memref_bitcast %arg1 : memref<32768x768xbf16, #tpu.memory_space<any>> -> memref<16384x768xi32, #tpu.memory_space<any>>
      %dma_start3A_71 = arith.constant 0 : i32
      %dma_start3A_72 = arith.constant 0 : i32
      %dma_start3A_73 = tpu.memref_slice %dma_start3A_70[%dma_start3A_71, %dma_start3A_72] : memref<16384x768xi32, #tpu.memory_space<any>> -> memref<1024x768xi32, #tpu.memory_space<any>>
      tpu.enqueue_dma source(%dma_start3A_73 : memref<1024x768xi32, #tpu.memory_space<any>>) target(%dma_start3A_69 : memref<1024x768xi32, #tpu.memory_space<vmem>>) target_semaphore(%dma_start3A_65 : memref<!tpu.dma_semaphore, #tpu.memory_space<semaphore_mem>>)
      %dma_start3A_74 = arith.constant 1 : i32
      %dma_start3A_75 = arith.constant 1 : i32
      %dma_start3A_76 = tpu.memref_slice %arg5[%dma_start3A_75] : memref<4x!tpu.dma_semaphore, #tpu.memory_space<semaphore_mem>> -> memref<1x!tpu.dma_semaphore, #tpu.memory_space<semaphore_mem>>
      %dma_start3A_77 = tpu.memref_squeeze %dma_start3A_76 : memref<1x!tpu.dma_semaphore, #tpu.memory_space<semaphore_mem>> -> memref<!tpu.dma_semaphore, #tpu.memory_space<semaphore_mem>>
      %dma_start3A_78 = arith.constant 0 : i32
      %dma_start3A_79 = arith.constant 0 : i32
      %dma_start3A_80 = tpu.memref_slice %arg4[%dma_start3A_74, %dma_start3A_78, %dma_start3A_79] : memref<4x1024x768xi32, #tpu.memory_space<vmem>> -> memref<1x1024x768xi32, #tpu.memory_space<vmem>>
      %dma_start3A_81 = tpu.memref_squeeze %dma_start3A_80 : memref<1x1024x768xi32, #tpu.memory_space<vmem>> -> memref<1024x768xi32, #tpu.memory_space<vmem>>
      %dma_start3A_82 = tpu.memref_bitcast %arg1 : memref<32768x768xbf16, #tpu.memory_space<any>> -> memref<16384x768xi32, #tpu.memory_space<any>>
      %dma_start3A_83 = arith.constant 1024 : i32
      %dma_start3A_84 = arith.constant 0 : i32
      %dma_start3A_85 = tpu.memref_slice %dma_start3A_82[%dma_start3A_83, %dma_start3A_84] : memref<16384x768xi32, #tpu.memory_space<any>> -> memref<1024x768xi32, #tpu.memory_space<any>>
      tpu.enqueue_dma source(%dma_start3A_85 : memref<1024x768xi32, #tpu.memory_space<any>>) target(%dma_start3A_81 : memref<1024x768xi32, #tpu.memory_space<vmem>>) target_semaphore(%dma_start3A_77 : memref<!tpu.dma_semaphore, #tpu.memory_space<semaphore_mem>>)
      %dma_start3A_86 = arith.constant 2 : i32
      %dma_start3A_87 = arith.constant 2 : i32
      %dma_start3A_88 = tpu.memref_slice %arg5[%dma_start3A_87] : memref<4x!tpu.dma_semaphore, #tpu.memory_space<semaphore_mem>> -> memref<1x!tpu.dma_semaphore, #tpu.memory_space<semaphore_mem>>
      %dma_start3A_89 = tpu.memref_squeeze %dma_start3A_88 : memref<1x!tpu.dma_semaphore, #tpu.memory_space<semaphore_mem>> -> memref<!tpu.dma_semaphore, #tpu.memory_space<semaphore_mem>>
      %dma_start3A_90 = arith.constant 0 : i32
      %dma_start3A_91 = arith.constant 0 : i32
      %dma_start3A_92 = tpu.memref_slice %arg4[%dma_start3A_86, %dma_start3A_90, %dma_start3A_91] : memref<4x1024x768xi32, #tpu.memory_space<vmem>> -> memref<1x1024x768xi32, #tpu.memory_space<vmem>>
      %dma_start3A_93 = tpu.memref_squeeze %dma_start3A_92 : memref<1x1024x768xi32, #tpu.memory_space<vmem>> -> memref<1024x768xi32, #tpu.memory_space<vmem>>
      %dma_start3A_94 = tpu.memref_bitcast %arg1 : memref<32768x768xbf16, #tpu.memory_space<any>> -> memref<16384x768xi32, #tpu.memory_space<any>>
      %dma_start3A_95 = arith.constant 2048 : i32
      %dma_start3A_96 = arith.constant 0 : i32
      %dma_start3A_97 = tpu.memref_slice %dma_start3A_94[%dma_start3A_95, %dma_start3A_96] : memref<16384x768xi32, #tpu.memory_space<any>> -> memref<1024x768xi32, #tpu.memory_space<any>>
      tpu.enqueue_dma source(%dma_start3A_97 : memref<1024x768xi32, #tpu.memory_space<any>>) target(%dma_start3A_93 : memref<1024x768xi32, #tpu.memory_space<vmem>>) target_semaphore(%dma_start3A_89 : memref<!tpu.dma_semaphore, #tpu.memory_space<semaphore_mem>>)
    } else {
    }
    %add3A = arith.constant 4 : i32
    %add3A_2 = arith.addi %arg0, %add3A : i32
    %sub3A = arith.constant 1 : i32
    %sub3A_3 = arith.subi %add3A_2, %sub3A : i32
    %lt3A = arith.constant 16 : i32
    %lt3A_4 = arith.cmpi slt, %sub3A_3, %lt3A : i32
    %convert_element_type3A_5 = arith.extui %lt3A_4 : i1 to i32
    %cond3A_6 = arith.constant 0 : i32
    %cond3A_7 = arith.cmpi ne, %convert_element_type3A_5, %cond3A_6 : i32
    scf.if %cond3A_7 {
      %add3A_63 = arith.constant 4 : i32
      %add3A_64 = arith.addi %arg0, %add3A_63 : i32
      %sub3A_65 = arith.constant 1 : i32
      %sub3A_66 = arith.subi %add3A_64, %sub3A_65 : i32
      %jit3A_67 = arith.constant 4 : i32
      %eq3A_68 = arith.constant 0 : i32
      %eq3A_69 = arith.cmpi eq, %jit3A_67, %eq3A_68 : i32
      %jit3A_70 = arith.constant 1 : i32
      %select_n3A_71 = arith.select %eq3A_69, %jit3A_70, %jit3A_67 : i32
      %rem3A_72 = arith.remsi %sub3A_66, %select_n3A_71 : i32
      %ne3A_73 = arith.constant 0 : i32
      %ne3A_74 = arith.cmpi ne, %rem3A_72, %ne3A_73 : i32
      %lt3A_75 = arith.constant 0 : i32
      %lt3A_76 = arith.cmpi slt, %rem3A_72, %lt3A_75 : i32
      %lt3A_77 = arith.constant 0 : i32
      %lt3A_78 = arith.cmpi slt, %select_n3A_71, %lt3A_77 : i32
      %ne3A_79 = arith.xori %lt3A_76, %lt3A_78 : i1
      %and3A_80 = arith.andi %ne3A_79, %ne3A_74 : i1
      %add3A_81 = arith.addi %rem3A_72, %select_n3A_71 : i32
      %select_n3A_82 = arith.select %and3A_80, %add3A_81, %rem3A_72 : i32
      %add3A_83 = arith.constant 4 : i32
      %add3A_84 = arith.addi %arg0, %add3A_83 : i32
      %sub3A_85 = arith.constant 1 : i32
      %sub3A_86 = arith.subi %add3A_84, %sub3A_85 : i32
      %mul3A_87 = arith.constant 1024 : i32
      %mul3A_88 = arith.muli %sub3A_86, %mul3A_87 : i32
      %dma_start3A = tpu.memref_slice %arg5[%select_n3A_82] : memref<4x!tpu.dma_semaphore, #tpu.memory_space<semaphore_mem>> -> memref<1x!tpu.dma_semaphore, #tpu.memory_space<semaphore_mem>>
      %dma_start3A_89 = tpu.memref_squeeze %dma_start3A : memref<1x!tpu.dma_semaphore, #tpu.memory_space<semaphore_mem>> -> memref<!tpu.dma_semaphore, #tpu.memory_space<semaphore_mem>>
      %dma_start3A_90 = arith.constant 0 : i32
      %dma_start3A_91 = arith.constant 0 : i32
      %dma_start3A_92 = tpu.memref_slice %arg4[%select_n3A_82, %dma_start3A_90, %dma_start3A_91] : memref<4x1024x768xi32, #tpu.memory_space<vmem>> -> memref<1x1024x768xi32, #tpu.memory_space<vmem>>
      %dma_start3A_93 = tpu.memref_squeeze %dma_start3A_92 : memref<1x1024x768xi32, #tpu.memory_space<vmem>> -> memref<1024x768xi32, #tpu.memory_space<vmem>>
      %dma_start3A_94 = tpu.memref_bitcast %arg1 : memref<32768x768xbf16, #tpu.memory_space<any>> -> memref<16384x768xi32, #tpu.memory_space<any>>
      %dma_start3A_95 = arith.constant 0 : i32
      %dma_start3A_96 = tpu.memref_slice %dma_start3A_94[%mul3A_88, %dma_start3A_95] : memref<16384x768xi32, #tpu.memory_space<any>> -> memref<1024x768xi32, #tpu.memory_space<any>>
      tpu.enqueue_dma source(%dma_start3A_96 : memref<1024x768xi32, #tpu.memory_space<any>>) target(%dma_start3A_93 : memref<1024x768xi32, #tpu.memory_space<vmem>>) target_semaphore(%dma_start3A_89 : memref<!tpu.dma_semaphore, #tpu.memory_space<semaphore_mem>>)
    } else {
    }
    %jit3A = arith.constant 4 : i32
    %eq3A_8 = arith.constant 0 : i32
    %eq3A_9 = arith.cmpi eq, %jit3A, %eq3A_8 : i32
    %jit3A_10 = arith.constant 1 : i32
    %select_n3A = arith.select %eq3A_9, %jit3A_10, %jit3A : i32
    %rem3A = arith.remsi %arg0, %select_n3A : i32
    %ne3A = arith.constant 0 : i32
    %ne3A_11 = arith.cmpi ne, %rem3A, %ne3A : i32
    %lt3A_12 = arith.constant 0 : i32
    %lt3A_13 = arith.cmpi slt, %rem3A, %lt3A_12 : i32
    %lt3A_14 = arith.constant 0 : i32
    %lt3A_15 = arith.cmpi slt, %select_n3A, %lt3A_14 : i32
    %ne3A_16 = arith.xori %lt3A_13, %lt3A_15 : i1
    %and3A = arith.andi %ne3A_16, %ne3A_11 : i1
    %add3A_17 = arith.addi %rem3A, %select_n3A : i32
    %select_n3A_18 = arith.select %and3A, %add3A_17, %rem3A : i32
    %mul3A = arith.constant 1024 : i32
    %mul3A_19 = arith.muli %arg0, %mul3A : i32
    %dma_wait3A = tpu.memref_slice %arg5[%select_n3A_18] : memref<4x!tpu.dma_semaphore, #tpu.memory_space<semaphore_mem>> -> memref<1x!tpu.dma_semaphore, #tpu.memory_space<semaphore_mem>>
    %dma_wait3A_20 = tpu.memref_squeeze %dma_wait3A : memref<1x!tpu.dma_semaphore, #tpu.memory_space<semaphore_mem>> -> memref<!tpu.dma_semaphore, #tpu.memory_space<semaphore_mem>>
    %dma_wait3A_21 = arith.constant 0 : i32
    %dma_wait3A_22 = arith.constant 0 : i32
    %dma_wait3A_23 = tpu.memref_slice %arg4[%select_n3A_18, %dma_wait3A_21, %dma_wait3A_22] : memref<4x1024x768xi32, #tpu.memory_space<vmem>> -> memref<1x1024x768xi32, #tpu.memory_space<vmem>>
    %dma_wait3A_24 = tpu.memref_squeeze %dma_wait3A_23 : memref<1x1024x768xi32, #tpu.memory_space<vmem>> -> memref<1024x768xi32, #tpu.memory_space<vmem>>
    %dma_wait3A_25 = tpu.memref_bitcast %arg1 : memref<32768x768xbf16, #tpu.memory_space<any>> -> memref<16384x768xi32, #tpu.memory_space<any>>
    %dma_wait3A_26 = arith.constant 0 : i32
    %dma_wait3A_27 = tpu.memref_slice %dma_wait3A_25[%mul3A_19, %dma_wait3A_26] : memref<16384x768xi32, #tpu.memory_space<any>> -> memref<1024x768xi32, #tpu.memory_space<any>>
    tpu.wait_dma2 semaphore(%dma_wait3A_20 : memref<!tpu.dma_semaphore, #tpu.memory_space<semaphore_mem>>) src(%dma_wait3A_27 : memref<1024x768xi32, #tpu.memory_space<any>>) dst(%dma_wait3A_24 : memref<1024x768xi32, #tpu.memory_space<vmem>>)
    %get3A = arith.index_cast %select_n3A_18 : i32 to index
    %get3A_28 = arith.constant 0 : index
    %get3A_29 = arith.constant 0 : index
    %get3A_30 = vector.load %arg4[%get3A, %get3A_28, %get3A_29] : memref<4x1024x768xi32, #tpu.memory_space<vmem>>, vector<1x1024x768xi32>
    %get3A_31 = vector.shape_cast %get3A_30 : vector<1x1024x768xi32> to vector<1024x768xi32>
    %shift_right_logical3A = arith.constant 3 : i32
    %shift_right_logical3A_32 = vector.broadcast %shift_right_logical3A : i32 to vector<1024x768xi32>
    %shift_right_logical3A_33 = arith.shrui %get3A_31, %shift_right_logical3A_32 : vector<1024x768xi32>
    %and3A_34 = arith.constant 65537 : i32
    %and3A_35 = vector.broadcast %and3A_34 : i32 to vector<1024x768xi32>
    %and3A_36 = arith.andi %shift_right_logical3A_33, %and3A_35 : vector<1024x768xi32>
    %and3A_37 = arith.constant 2147450879 : i32
    %and3A_38 = vector.broadcast %and3A_37 : i32 to vector<1024x768xi32>
    %and3A_39 = arith.andi %get3A_31, %and3A_38 : vector<1024x768xi32>
    %add3A_40 = arith.addi %and3A_39, %and3A_36 : vector<1024x768xi32>
    %add3A_41 = arith.constant 196611 : i32
    %add3A_42 = vector.broadcast %add3A_41 : i32 to vector<1024x768xi32>
    %add3A_43 = arith.addi %add3A_40, %add3A_42 : vector<1024x768xi32>
    %shift_right_logical3A_44 = arith.constant 3 : i32
    %shift_right_logical3A_45 = vector.broadcast %shift_right_logical3A_44 : i32 to vector<1024x768xi32>
    %shift_right_logical3A_46 = arith.shrui %add3A_43, %shift_right_logical3A_45 : vector<1024x768xi32>
    %and3A_47 = arith.constant 268374015 : i32
    %and3A_48 = vector.broadcast %and3A_47 : i32 to vector<1024x768xi32>
    %and3A_49 = arith.andi %shift_right_logical3A_46, %and3A_48 : vector<1024x768xi32>
    %add3A_50 = arith.constant 939538432 : i32
    %add3A_51 = vector.broadcast %add3A_50 : i32 to vector<1024x768xi32>
    %add3A_52 = arith.addi %and3A_49, %add3A_51 : vector<1024x768xi32>
    %and3A_53 = arith.constant -2147450880 : i32
    %and3A_54 = vector.broadcast %and3A_53 : i32 to vector<1024x768xi32>
    %and3A_55 = arith.andi %get3A_31, %and3A_54 : vector<1024x768xi32>
    %or3A = arith.ori %add3A_52, %and3A_55 : vector<1024x768xi32>
    %bitcast3A = tpu.bitcast %or3A : vector<1024x768xi32> -> vector<2048x768xbf16>
    %get3A_56 = arith.constant 0 : index
    %get3A_57 = arith.constant 0 : index
    %get3A_58 = vector.load %arg2[%get3A_56, %get3A_57] : memref<8x768xf32, #tpu.memory_space<vmem>>, vector<8x768xf32>
    %convert_element_type3A_59 = arith.truncf %get3A_58 : vector<8x768xf32> to vector<8x768xbf16>
    %dot_general3A = arith.constant dense<0.000000e+00> : vector<8x2048xf32>
    %dot_general3A_60 = tpu.matmul %convert_element_type3A_59, %bitcast3A, %dot_general3A {dimension_numbers = #tpu.dot_dimension_numbers<[1], [1], [0], [0], [0, 0, 1, 0], [], []>, transpose_lhs_hint = false} : vector<8x768xbf16>, vector<2048x768xbf16>, vector<8x2048xf32> -> vector<8x2048xf32>
    %swap3A = arith.constant 0 : index
    %swap3A_61 = arith.constant 0 : index
    %swap3A_62 = vector.load %arg3[%swap3A, %swap3A_61] : memref<8x2048xf32, #tpu.memory_space<vmem>>, vector<8x2048xf32>
    tpu.vector_store %arg3[%swap3A, %swap3A_61], %dot_general3A_60 {strides = array<i32>} : memref<8x2048xf32, #tpu.memory_space<vmem>>, vector<8x2048xf32>,
    return
  }
  func.func @transform_1(%arg0: i32) -> (i32, i32) {
    %c0_i32 = arith.constant 0 : i32
    %c0_i32_0 = arith.constant 0 : i32
    %c0_i32_1 = arith.constant 0 : i32
    return %c0_i32, %c0_i32_0 : i32, i32
  }
  func.func @transform_2(%arg0: i32) -> (i32, i32) {
    %c0_i32 = arith.constant 0 : i32
    %c0_i32_0 = arith.constant 0 : i32
    return %c0_i32, %arg0 : i32, i32
  }
}

</mosaic_0001>

<sc_bundles>
// kernel: kernel.4.cloned.1.call-start
scs
__scs_entry_jumppad:
0x0: {  	(pc) =	sbr.rel $0x88, $3  }
0x1: {  	(tag) =	ssettag $0x0;
	lr =	simm.s32 $0x1  }
0x2: {  	[smem:$0x3F9F] =	sst lr;
	_ =	strace $0xD0000000  }
0x3: {  	_ = 	snop  }
0x4: {  	_ = 	snop  }
0x5: {  	_ = 	snop  }
0x6: {  	_ = 	snop  }
0x7: {  	_ = 	snop  }
__scs_overlays_trampoline_lowered:
0x8: {  	[smem:$0x3FAE] =	sst s0  }
0x9: {  	[smem:$0x3FAF] =	sst s1  }
0xa: {  	[smem:$0x3FB0] =	sst s2  }
0xb: {  	[smem:$0x3FB1] =	sst s3  }
0xc: {  	[smem:$0x3FB2] =	sst s4  }
0xd: {  	[smem:$0x3FB3] =	sst s5  }
0xe: {  	[smem:$0x3FB4] =	sst s6  }
0xf: {  	[smem:$0x3FB5] =	sst s7  }
0x10: {  	[smem:$0x3FB6] =	sst s8  }
0x11: {  	[smem:$0x3FB7] =	sst s9;
	s0 =	simm.s32 @!p0 $0x0  }
0x12: {  	s1 =	sld [smem:$0x3F9D];
	s0 =	simm.s32 @p0 $0x1  }
0x13: {  	[smem:$0x3FB8] =	sst s0;
	s0 =	simm.s32 @!p1 $0x0  }
0x14: {  	s2 =	sld [smem:$0x3F9C];
	s0 =	simm.s32 @p1 $0x1  }
0x15: {  	[smem:$0x3FB9] =	sst s0;
	s0 =	simm.s32 @!p2 $0x0  }
0x16: {  	s3 =	sld [smem:$0x3FDB];
	s0 =	simm.s32 @p2 $0x1  }
0x17: {  	s4 =	simm.s32 $0x1BF5;
	[smem:$0x3FBB] =	sst s0  }
0x18: {  	s0 =	sld [smem:$0x3F9E];
	_ =	swait.ge [sflag:s4], $0x0  }
0x19: {  	s7 =	sld [smem:$0x3F9F]  }
0x1a: {  	s8 =	sadd.s32 $0xFFFFE003, lr  }
0x1b: {  	s9 =	sadd.s32 $0xFFFFFEF7, lr;
	s5 =	simm.s32 $0xFFFFFFFF;
	p2 =	slt.u32 s8, $0xFFFFF086  }
0x1c: {  	p1 =	slt.u32 s9, $0xF7A;
	s5 =	simm.s32 @!p2 $0x0  }
0x1d: {  	s5 =	simm.s32 @p1 $0x1;
	p0 =	seq.s32 s7, s2  }
0x1e: {  	s7 =	smul.u32 @!p0 $0xF7A, s2;
	p2 =	seq.s32 @!p0 s5, $0x0  }
0x1f: {  	s9 =	smul.u32 $0xF7A, s1;
	s8 =	simm.s32 @!p0 $0x1BF5;
	p2 =	por !p2, p0  }
0x20: {  	[sflag:s8] =	ssyncset.s32 @!p0 $0xFFFFF086;
	s6 =	sadd.s32 @!p0 s3, s7;
	s7 =	simm.s32 @!p0 $0x108  }
0x21: {  	s3 =	sadd.s32 s3, s9;
	s6 =	sadd.s32 @!p0 $0x88, s6;
	s7 =	simm.s32 @p2 $0x1082  }
0x22: {  	[simem:s7], [sflag:s8] =	dma.local @!p0 [hbm:s6], $0xF7A  }
0x23: {  	s9 =	sor.u32 $0xD0000000, s2;
	s6 =	simm.s32 $0x108;
	_ =	swait.ge @!p0 [sflag:s8], $0x0  }
0x24: {  	s3 =	sadd.s32 $0x88, s3;
	s6 =	simm.s32 @!p1 $0x1082;
	[sflag:s4] =	ssyncset.s32 $0xFFFFF086  }
0x25: {  	[simem:s6], [sflag:s4] =	dma.local [hbm:s3], $0xF7A  }
0x26: {  	[smem:$0x3F9F] =	sst s1;
	(tag) =	ssettag s2;
	_ =	strace s9  }
0x27: {  	s1 =	sld [smem:$0x3FAF]  }
0x28: {  	s2 =	sld [smem:$0x3FB0]  }
0x29: {  	s4 =	sld [smem:$0x3FB2]  }
0x2a: {  	p0 =	seq.s32 s5, $0x0;
	s5 =	sld [smem:$0x3FB3]  }
0x2b: {  	s6 =	sld [smem:$0x3FB4]  }
0x2c: {  	s7 =	sld [smem:$0x3FB5]  }
0x2d: {  	s3 =	simm.s32 $0x108;
	s8 =	sld [smem:$0x3FB6]  }
0x2e: {  	s3 =	simm.s32 @!p0 $0x1082;
	s9 =	sld [smem:$0x3FB7]  }
0x2f: {  	lr =	sadd.s32 s0, s3;
	s0 =	sld [smem:$0x3FAE]  }
0x30: {  	s3 =	sld [smem:$0x3FB1]  }
0x31: {  	[smem:$0x3FBA] =	sst s10  }
0x32: {  	s10 =	sld [smem:$0x3FB8];
	_ =	sdelay $0x3  }
0x33: {  	p0 =	seq.s32 s10, $0x1;
	s10 =	sld [smem:$0x3FBA];
	_ =	sdelay $0x3  }
0x34: {  	[smem:$0x3FBA] =	sst s10  }
0x35: {  	s10 =	sld [smem:$0x3FB9];
	_ =	sdelay $0x3  }
0x36: {  	p1 =	seq.s32 s10, $0x1;
	s10 =	sld [smem:$0x3FBA];
	_ =	sdelay $0x3  }
0x37: {  	[smem:$0x3FBA] =	sst s10  }
0x38: {  	s10 =	sld [smem:$0x3FBB]  }
0x39: {  	_ = 	snop;
	(pc) =	sbr.ind lr, $3  }
0x3a: {  	_ = 	snop  }
0x3b: {  	_ = 	snop  }
0x3c: {  	p2 =	seq.s32 s10, $0x1;
	s10 =	sld [smem:$0x3FBA]  }
0x3d: {  	_ =	shalt  }
0x3e: {  	_ =	shalt  }
0x3f: {  	_ =	shalt  }
0x40: {  	_ =	shalt  }
0x41: {  	_ =	shalt  }
0x42: {  	_ =	shalt  }
0x43: {  	_ =	shalt  }
0x44: {  	_ =	shalt  }
0x45: {  	_ =	shalt  }
0x46: {  	_ =	shalt  }
0x47: {  	_ =	shalt  }
0x48: {  	_ =	shalt  }
0x49: {  	_ =	shalt  }
0x4a: {  	_ =	shalt  }
0x4b: {  	_ =	shalt  }
0x4c: {  	_ =	shalt  }
0x4d: {  	_ =	shalt  }
0x4e: {  	_ =	shalt  }
0x4f: {  	_ =	shalt  }
0x50: {  	_ =	shalt  }
0x51: {  	_ =	shalt  }
0x52: {  	_ =	shalt  }
0x53: {  	_ =	shalt  }
0x54: {  	_ =	shalt  }
0x55: {  	_ =	shalt  }
0x56: {  	_ =	shalt  }
0x57: {  	_ =	shalt  }
0x58: {  	_ =	shalt  }
0x59: {  	_ =	shalt  }
0x5a: {  	_ =	shalt  }
0x5b: {  	_ =	shalt  }
0x5c: {  	_ =	shalt  }
0x5d: {  	_ =	shalt  }
0x5e: {  	_ =	shalt  }
0x5f: {  	_ =	shalt  }
0x60: {  	_ =	shalt  }
0x61: {  	_ =	shalt  }
0x62: {  	_ =	shalt  }
0x63: {  	_ =	shalt  }
0x64: {  	_ =	shalt  }
0x65: {  	_ =	shalt  }
0x66: {  	_ =	shalt  }
0x67: {  	_ =	shalt  }
0x68: {  	_ =	shalt  }
0x69: {  	_ =	shalt  }
0x6a: {  	_ =	shalt  }
0x6b: {  	_ =	shalt  }
0x6c: {  	_ =	shalt  }
0x6d: {  	_ =	shalt  }
0x6e: {  	_ =	shalt  }
0x6f: {  	_ =	shalt  }
0x70: {  	_ =	shalt  }
0x71: {  	_ =	shalt  }
0x72: {  	_ =	shalt  }
0x73: {  	_ =	shalt  }
0x74: {  	_ =	shalt  }
0x75: {  	_ =	shalt  }
0x76: {  	_ =	shalt  }
0x77: {  	_ =	shalt  }
0x78: {  	_ =	shalt  }
0x79: {  	_ =	shalt  }
0x7a: {  	_ =	shalt  }
0x7b: {  	_ =	shalt  }
0x7c: {  	_ =	shalt  }
0x7d: {  	_ =	shalt  }
0x7e: {  	_ =	shalt  }
0x7f: {  	_ =	shalt  }
0x80: {  	_ =	shalt  }
0x81: {  	_ =	shalt  }
0x82: {  	_ =	shalt  }
0x83: {  	_ =	shalt  }
0x84: {  	_ =	shalt  }
0x85: {  	_ =	shalt  }
0x86: {  	_ =	shalt  }
0x87: {  	_ =	shalt  }
.Lfunc_end0:
.L_simem_size_0:
called_computation_lowered:
.L_overlay_start_0:
0x88: {  	s2 =	sld [smem:$0x3FD9]  }
0x89: {  	s3 =	sld [smem:$0x3FFE];
	_ =	sdelay $0x1  }
0x8a: {  	s1 =	srdreg.scid  }
0x8b: {  	s0 =	sand.u32 $0x1, s1  }
0x8c: {  	s14 =	sshll.u32 s0, $0xA;
	s2 =	sadd.s32 s3, s2  }
0x8d: {  	s2 =	sadd.s32 s2, s14  }
0x8e: {  	[smem:$0x3FC6] =	sst s2  }
0x8f: {  	_ = 	snop  }
0x90: {  	s2 =	sld [smem:$0x3FD0];
	_ =	sdelay $0x2  }
0x91: {  	s15 =	simm.s32 $0xA;
	s4 =	simm.s32 $0x10  }
0x92: {  	[smem:s4], [sflag:s15] =	dma.local [hbm:s2], $0x1  }
0x93: {  	_ =	swait.eq [sflag:s15], $0x1  }
0x94: {  	[sflag:s15] =	ssyncset.done $0x0  }
0x95: {  	s16 =	sld [smem:$0x10];
	[sflag:s15] =	ssyncadd.s32 $0xFFFFFFFF  }
0x96: {  	s17 =	sld [smem:$0x11];
	(tm) =	ssettm $0x1  }
0x97: {  	s18 =	sld [smem:$0x3FFB];
	_ =	sdelay $0x3  }
0x98: {  	_ =	strace s18  }
0x99: {  	s4 =	sld [smem:$0x3FFC];
	_ =	sdelay $0x3  }
0x9a: {  	_ =	strace s4  }
0x9b: {  	s4 =	sld [smem:$0x3FFD];
	_ =	sdelay $0x3  }
0x9c: {  	_ =	strace s4  }
0x9d: {  	_ =	strace $0x8FFFFFFF  }
0x9e: {  	s19 =	sld [smem:$0x3FDB];
	_ =	sdelay $0x1  }
0x9f: {  	s5 =	simm.s32 $_scs_section_size  }
0xa0: {  	s6 =	simm.s32 $_size__tile_overlayer_lowered;
	s7 =	simm.s32 $_tile_overlayer_lowered  }
0xa1: {  	s22 =	simm.s32 $0x1BFF;
	s21 =	sshll.u32 s7, $0x1;
	s4 =	sadd.s32 s5, s19  }
0xa2: {  	s8 =	simm.s32 $0x0;
	s20 =	sshll.u32 s6, $0x1;
	s6 =	sadd.s32 s21, s4  }
0xa3: {  	[timem:s8], [sflag:s22] =	dma.local [hbm:s6], s20  }
0xa4: {  	_ =	swait.ge [sflag:s22], s20  }
0xa5: {  	s5 =	ssub.s32 $0x0, s20;
	[sflag:s22] =	ssyncset.done $0x0  }
0xa6: {  	[sflag:s22] =	ssyncadd.s32 s5;
	_ =	sdelay $0x1  }
0xa7: {  	s23 =	simm.s32 $0x1B8B  }
0xa8: {  	_ =	swait.ge [sflag:s23], $0x1  }
0xa9: {  	[sflag:s23] =	ssyncset.done $0x0  }
0xaa: {  	s25 =	simm.s32 $0x1B8E;
	s24 =	sld [smem:$0x3FFE];
	[sflag:s23] =	ssyncadd.s32 $0xFFFFFFFF  }
0xab: {  	s26 =	simm.s32 $execute0_lowered;
	[smem:$0x3FD2] =	sst s25  }
0xac: {  	s6 =	sshll.u32 s26, $0x1;
	_ =	strace $0x80000046;
	[dreg:$0x1] =	wrdreg $0xFFFFFFFF  }
0xad: {  	s28 =	simm.s32 $_size_execute0_lowered;
	s4 =	sadd.s32 s4, s6;
	[dreg:$0x0] =	wrdreg $0x0  }
0xae: {  	s6 =	sshll.u32 s28, $0x1;
	[dreg:$0x2] =	wrdreg s4  }
0xaf: {  	[dreg:$0x3] =	wrdreg s6  }
0xb0: {  	[dreg:$0x4] =	wrdreg $0xC0  }
0xb1: {  	_ =	task [dreg:s8], $0x5FFFF  }
0xb2: {  	[dreg:$0x1] =	wrdreg $0xFFFFFFFF  }
0xb3: {  	[dreg:$0x0] =	wrdreg $0x60  }
0xb4: {  	[dreg:$0x2] =	wrdreg s24  }
0xb5: {  	[dreg:$0x3] =	wrdreg s16  }
0xb6: {  	[dreg:$0x4] =	wrdreg s17  }
0xb7: {  	[dreg:$0x5] =	wrdreg $0x9  }
0xb8: {  	_ =	task.clear_ibuf [dreg:s8], $0x6FFFF;
	_ =	strace $0x90000046  }
0xb9: {  	s29 =	simm.s32 $0x9;
	_ =	strace $0x80000048  }
0xba: {  	_ =	swait.ge [sflag:s29], $0x1  }
0xbb: {  	[sflag:s29] =	ssyncadd.s32 $0xFFFFFFFF  }
0xbc: {  	_ =	strace $0x90000048  }
0xbd: {  	_ =	sfence  }
0xbe: {  	s30 =	sld [smem:$0x0];
	_ =	sdelay $0x2  }
0xbf: {  	s31 =	sshll.u32 s1, $0xD;
	s1 =	sshrl.u32 s1, $0x2  }
0xc0: {  	s3 =	sand.u32 $0x4000, s31;
	s1 =	sadd.s32 s1, s30  }
0xc1: {  	s0 =	sor.u32 s3, s0;
	s1 =	sshll.u32 s1, $0x11  }
0xc2: {  	s0 =	sor.u32 s1, s0  }
0xc3: {  	s0 =	sadd.s32 $0x8F2B, s0  }
0xc4: {  	[sflag:s0] =	ssyncadd.remote.s32 $0x1  }
0xc5: {  	_ =	sfence.sel $0xFFFF  }
0xc6: {  	[dreg:$0x0] =	wrdreg $0xFFFFFFFF;
	(pc) =	sbr.abs _section_cstart, $3  }
0xc7: {  	[dreg:$0x1] =	wrdreg $0xFFFFFFFF  }
0xc8: {  	_ =	task.clear_ibuf [dreg:s8], $0x2FFFF;
	_ =	strace $0x9FFFFFFF  }
0xc9: {  	(tm) =	ssettm $0x7FFFFFFF  }
tec
execute0_lowered:
.L_overlay_start_1:
0x0: {  	(tag) =	ssettag $0x1  }
0x1: {  	s3 =	rddreg [dreg:$0x0]  }
0x2: {  	s4 =	rddreg [dreg:$0x1]  }
0x3: {  	s5 =	rddreg [dreg:$0x2]  }
0x4: {  	s0 =	rddreg [dreg:$0x3];
	s6 =	srdreg.scid  }
0x5: {  	s2 =	simm.s32 $0x0;
	s1 =	stileid.u32;
	s9 =	simm.s32 $0x2800  }
0x6: {  	s10 =	simm.s32 $0x0;
	s6 =	sand.u32 $0x1, s6;
	[smem:$0x7FF] =	sst s2  }
0x7: {  	s7 =	sshll.u32 s1, $0xB;
	s8 =	sshll.u32 s6, $0xA;
	s6 =	ssub.s32 $0x2, s6  }
0x8: {  	_ =	strace $0x80000047;
	s7 =	sor.u32 s8, s7;
	s31 =	sshrl.u32 s6, $0x1  }
0x9: {  	s8 =	simm.s32 $0x2000;
	s3 =	sadd.s32 s7, s3;
	s7 =	sshrl.u32 s7, $0x2  }
0xa: {  	s6 =	ssub.s32 s6, s31;
	s3 =	sadd.s32 $0xA00, s3;
	s4 =	sadd.s32 s4, s7  }
0xb: {  	v0 =	vimm.s32 $0x0;
	s5 =	sadd.s32 s5, s7;
	s6 =	smax.u32 s6, $0x1;
	s7 =	simm.s32 $0x1  }
.LBB2_1:
0xc: {  	[tilespmem:s2], [sflag:$0x1] =	stream.linear.gather [hbm4b:s3+s2], $0x2000, $0x38;
	[tilespmem:$0x3000] =	vst v63  }
0xd: {  	s12 =	simm.s32 $0x0;
	_ =	swait.ge [sflag:s7], $0x2000  }
0xe: {  	s11 =	sand.u32 $0x70, s2;
	s12 =	sand.u32 $0x3FFFFC00, s12;
	[sflag:s7] =	ssyncset.done $0x0  }
0xf: {  	s12 =	sor.u32 s11, s12;
	[sflag:s7] =	ssyncadd.s32 $0xFFFFE000  }
0x10: {  	v1 =	vld [tilespmem:s12+$0x0]  }
0x11: {  	v2 =	vld [tilespmem:s12+$0x80];
	_ =	sdelay $0x1  }
0x12: {  	v3 =	vld [tilespmem:s12+$0x100];
	_ =	sdelay $0x1  }
0x13: {  	v4 =	vld [tilespmem:s12+$0x180]  }
0x14: {  	vm0 =	vgt.f32 v2, v1  }
0x15: {  	v5 =	vld [tilespmem:s12+$0x200];
	v6 =	vsel vm0, v2, v1  }
0x16: {  	vm1 =	vgt.f32 v3, v6  }
0x17: {  	v7 =	vld [tilespmem:s12+$0x280];
	v6 =	vsel vm1, v3, v6  }
0x18: {  	vm2 =	vgt.f32 v4, v6  }
0x19: {  	v8 =	vld [tilespmem:s12+$0x300];
	v6 =	vsel vm2, v4, v6  }
0x1a: {  	vm3 =	vgt.f32 v5, v6  }
0x1b: {  	v9 =	vld [tilespmem:s12+$0x380];
	v6 =	vsel vm3, v5, v6  }
0x1c: {  	v10 =	vsel vm0, $0x1, v0;
	vm7 =	vgt.f32 v7, v6  }
0x1d: {  	v10 =	vsel vm1, $0x2, v10;
	v6 =	vsel vm7, v7, v6  }
0x1e: {  	v10 =	vsel vm2, $0x3, v10;
	vm1 =	vgt.f32 v8, v6  }
0x1f: {  	v10 =	vsel vm3, $0x4, v10;
	v6 =	vsel vm1, v8, v6  }
0x20: {  	v10 =	vsel vm7, $0x5, v10;
	vm8 =	vgt.f32 v9, v6  }
0x21: {  	v10 =	vsel vm1, $0x6, v10;
	vm0 =	vmneg vm8  }
0x22: {  	v10 =	vnsel vm0, $0x7, v10  }
0x23: {  	vm9 =	veq.s32 v10, $0x0  }
0x24: {  	v1 =	vsel vm9, $0xFF800000, v1  }
0x25: {  	vm10 =	veq.s32 v10, $0x1;
	vm11 =	vgt.f32 v1, $-Inf  }
0x26: {  	v2 =	vsel vm10, $0xFF800000, v2;
	v1 =	vnsel vm11, $0xFF800000, v1  }
0x27: {  	vm12 =	veq.s32 v10, $0x2;
	vm3 =	vgt.f32 v2, v1  }
0x28: {  	v3 =	vsel vm12, $0xFF800000, v3;
	v1 =	vsel vm3, v2, v1  }
0x29: {  	vm13 =	veq.s32 v10, $0x3;
	vm4 =	vgt.f32 v3, v1  }
0x2a: {  	v2 =	vsel vm13, $0xFF800000, v4;
	v1 =	vsel vm4, v3, v1  }
0x2b: {  	vm14 =	veq.s32 v10, $0x4;
	vm5 =	vgt.f32 v2, v1  }
0x2c: {  	v3 =	vsel vm14, $0xFF800000, v5;
	v1 =	vsel vm5, v2, v1  }
0x2d: {  	vm15 =	veq.s32 v10, $0x5;
	vm6 =	vgt.f32 v3, v1  }
0x2e: {  	v2 =	vsel vm15, $0xFF800000, v7;
	v1 =	vsel vm6, v3, v1  }
0x2f: {  	vm1 =	vmand vm1, vm0;
	vm2 =	vgt.f32 v2, v1  }
0x30: {  	v3 =	vsel vm1, $0xFF800000, v8;
	v1 =	vsel vm2, v2, v1  }
0x31: {  	vm1 =	vgt.f32 v3, v1  }
0x32: {  	v2 =	vnsel vm0, $0xFF800000, v9;
	v1 =	vsel vm1, v3, v1  }
0x33: {  	vm7 =	vgt.f32 v2, v1  }
0x34: {  	v3 =	vsel vm0, v6, v9;
	v1 =	vsel vm7, v2, v1  }
0x35: {  	v1 =	vsub.f32 v1, v3;
	_ =	sdelay $0x1  }
0x36: {  	v1 =	vmul.f32 $1.442695020e+00, v1;
	_ =	sdelay $0x1  }
0x37: {  	(erf) = vpow2.f32 v1;
	_ =	sdelay $0x8  }
0x38: {  	v1 =	vpop (erf)  }
0x39: {  	v2 =	vadd.f32 $1.000000000e+00, v1;
	_ =	sdelay $0x1  }
0x3a: {  	(erf) = vrcp.f32 v2;
	v2 =	vsel vm3, $0x1, v0  }
0x3b: {  	v2 =	vsel vm4, $0x2, v2  }
0x3c: {  	v2 =	vsel vm5, $0x3, v2  }
0x3d: {  	v2 =	vsel vm6, $0x4, v2  }
0x3e: {  	v2 =	vsel vm2, $0x5, v2  }
0x3f: {  	s30 =	simm.s32 $0x0;
	v2 =	vsel vm1, $0x6, v2  }
0x40: {  	s12 =	sand.u32 $0xFFFFFF00, s30;
	v2 =	vsel vm7, $0x7, v2  }
0x41: {  	s15 =	sor.u32 s11, s12  }
0x42: {  	[tilespmem:s15+$0x2000] =	vst v10  }
0x43: {  	s31 =	simm.s32 $0x10;
	s18 =	simm.s32 $0x2;
	s17 =	simm.s32 $0x80;
	[tilespmem:s15+$0x2080] =	vst v2;
	v2 =	vpop (erf)  }
0x44: {  	s13 =	simm.s32 $0x20;
	s12 =	simm.s32 $0x1;
	s11 =	sand.u32 $0x70, s31;
	v1 =	vmul.f32 v2, v1;
	[tilespmem:s15+$0x2800] =	vst v2  }
.LBB2_2:
0x45: {  	s16 =	sand.u32 $0x70, s13  }
0x46: {  	s17 =	sand.u32 $0x3FFFFC00, s17;
	s19 =	smov.u32 s18;
	s14 =	sadd.s32 $0x1, s18  }
0x47: {  	p0 =	sne.s32 s18, $0x3F;
	s17 =	sor.u32 s11, s17;
	[tilespmem:s15+$0x2880] =	vst v1  }
0x48: {  	v1 =	vld [tilespmem:s17+$0x0]  }
0x49: {  	v2 =	vld [tilespmem:s17+$0x80]  }
0x4a: {  	v3 =	vld [tilespmem:s17+$0x100];
	_ =	sdelay $0x1  }
0x4b: {  	v4 =	vld [tilespmem:s17+$0x180];
	_ =	sdelay $0x1  }
0x4c: {  	v5 =	vld [tilespmem:s17+$0x200];
	vm0 =	vgt.f32 v2, v1  }
0x4d: {  	v6 =	vsel vm0, v2, v1  }
0x4e: {  	v7 =	vld [tilespmem:s17+$0x280];
	vm1 =	vgt.f32 v3, v6  }
0x4f: {  	v6 =	vsel vm1, v3, v6  }
0x50: {  	v8 =	vld [tilespmem:s17+$0x300];
	vm2 =	vgt.f32 v4, v6  }
0x51: {  	v6 =	vsel vm2, v4, v6  }
0x52: {  	v9 =	vld [tilespmem:s17+$0x380];
	vm3 =	vgt.f32 v5, v6  }
0x53: {  	v10 =	vsel vm0, $0x1, v0;
	v6 =	vsel vm3, v5, v6  }
0x54: {  	v10 =	vsel vm1, $0x2, v10;
	vm0 =	vgt.f32 v7, v6  }
0x55: {  	v10 =	vsel vm2, $0x3, v10;
	v6 =	vsel vm0, v7, v6  }
0x56: {  	v10 =	vsel vm3, $0x4, v10;
	vm1 =	vgt.f32 v8, v6  }
0x57: {  	v10 =	vsel vm0, $0x5, v10;
	v6 =	vsel vm1, v8, v6  }
0x58: {  	s15 =	sshll.u32 s12, $0x5;
	s12 =	smov.u32 s19;
	v10 =	vsel vm1, $0x6, v10;
	vm0 =	vgt.f32 v9, v6  }
0x59: {  	s15 =	sand.u32 $0xFFFFFF00, s15;
	vm0 =	vmneg vm0  }
0x5a: {  	s15 =	sor.u32 s11, s15;
	s11 =	smov.u32 s16;
	v6 =	vsel vm0, v6, v9;
	v10 =	vnsel vm0, $0x7, v10;
	vm1 =	vmand vm1, vm0  }
0x5b: {  	vm2 =	veq.s32 v10, $0x0;
	vm3 =	veq.s32 v10, $0x1;
	vm4 =	veq.s32 v10, $0x2;
	[tilespmem:s15+$0x2000] =	vst v10  }
0x5c: {  	vm5 =	veq.s32 v10, $0x4;
	v1 =	vsel vm2, $0xFF800000, v1;
	vm2 =	veq.s32 v10, $0x3  }
0x5d: {  	v2 =	vsel vm3, $0xFF800000, v2;
	vm3 =	veq.s32 v10, $0x5;
	vm6 =	vgt.f32 v1, $-Inf  }
0x5e: {  	v1 =	vnsel vm6, $0xFF800000, v1  }
0x5f: {  	v3 =	vsel vm4, $0xFF800000, v3;
	vm6 =	vgt.f32 v2, v1  }
0x60: {  	v1 =	vsel vm6, v2, v1;
	v2 =	vsel vm6, $0x1, v0  }
0x61: {  	v4 =	vsel vm2, $0xFF800000, v4;
	vm4 =	vgt.f32 v3, v1  }
0x62: {  	v1 =	vsel vm4, v3, v1;
	v2 =	vsel vm4, $0x2, v2  }
0x63: {  	v3 =	vsel vm5, $0xFF800000, v5;
	vm2 =	vgt.f32 v4, v1  }
0x64: {  	v1 =	vsel vm2, v4, v1;
	v2 =	vsel vm2, $0x3, v2  }
0x65: {  	v4 =	vsel vm3, $0xFF800000, v7;
	vm2 =	vgt.f32 v3, v1  }
0x66: {  	v1 =	vsel vm2, v3, v1;
	v2 =	vsel vm2, $0x4, v2  }
0x67: {  	v3 =	vsel vm1, $0xFF800000, v8;
	vm2 =	vgt.f32 v4, v1  }
0x68: {  	v1 =	vsel vm2, v4, v1;
	v2 =	vsel vm2, $0x5, v2  }
0x69: {  	v4 =	vnsel vm0, $0xFF800000, v9;
	vm1 =	vgt.f32 v3, v1  }
0x6a: {  	v1 =	vsel vm1, v3, v1  }
0x6b: {  	v2 =	vsel vm1, $0x6, v2;
	vm0 =	vgt.f32 v4, v1  }
0x6c: {  	v1 =	vsel vm0, v4, v1;
	v2 =	vsel vm0, $0x7, v2  }
0x6d: {  	v1 =	vsub.f32 v1, v6;
	[tilespmem:s15+$0x2080] =	vst v2;
	_ =	sdelay $0x1  }
0x6e: {  	v1 =	vmul.f32 $1.442695020e+00, v1;
	_ =	sdelay $0x1  }
0x6f: {  	(erf) = vpow2.f32 v1;
	_ =	sdelay $0x8  }
0x70: {  	v1 =	vpop (erf)  }
0x71: {  	v2 =	vadd.f32 $1.000000000e+00, v1;
	_ =	sdelay $0x1  }
0x72: {  	(erf) = vrcp.f32 v2;
	_ =	sdelay $0x5  }
.Ltmp0:
0x73: {  	(pc) =	sbr.rel @p0 .LBB2_2-.Ltmp0, $3  }
0x74: {  	_ =	sdelay $0x1  }
0x75: {  	v2 =	vpop (erf)  }
0x76: {  	s13 =	sadd.s32 $0x10, s13;
	s18 =	smov.u32 s14;
	s17 =	sshll.u32 s12, $0x7;
	v1 =	vmul.f32 v2, v1;
	[tilespmem:s15+$0x2800] =	vst v2  }
0x77: {  	s13 =	sand.u32 $0x3FFFFC00, s17  }
0x78: {  	s13 =	sor.u32 s11, s13;
	[tilespmem:s15+$0x2880] =	vst v1  }
0x79: {  	v1 =	vld [tilespmem:s13+$0x0]  }
0x7a: {  	v2 =	vld [tilespmem:s13+$0x80];
	_ =	sdelay $0x1  }
0x7b: {  	v3 =	vld [tilespmem:s13+$0x100];
	_ =	sdelay $0x1  }
0x7c: {  	v4 =	vld [tilespmem:s13+$0x180]  }
0x7d: {  	vm0 =	vgt.f32 v2, v1  }
0x7e: {  	v5 =	vld [tilespmem:s13+$0x200];
	v6 =	vsel vm0, v2, v1  }
0x7f: {  	vm1 =	vgt.f32 v3, v6  }
0x80: {  	v7 =	vld [tilespmem:s13+$0x280];
	v6 =	vsel vm1, v3, v6  }
0x81: {  	vm2 =	vgt.f32 v4, v6  }
0x82: {  	v8 =	vld [tilespmem:s13+$0x300];
	v6 =	vsel vm2, v4, v6  }
0x83: {  	vm3 =	vgt.f32 v5, v6  }
0x84: {  	v9 =	vld [tilespmem:s13+$0x380];
	v6 =	vsel vm3, v5, v6  }
0x85: {  	v10 =	vsel vm0, $0x1, v0;
	vm7 =	vgt.f32 v7, v6  }
0x86: {  	v10 =	vsel vm1, $0x2, v10;
	v6 =	vsel vm7, v7, v6  }
0x87: {  	v10 =	vsel vm2, $0x3, v10;
	vm1 =	vgt.f32 v8, v6  }
0x88: {  	v10 =	vsel vm3, $0x4, v10;
	v6 =	vsel vm1, v8, v6  }
0x89: {  	v10 =	vsel vm7, $0x5, v10;
	vm8 =	vgt.f32 v9, v6  }
0x8a: {  	v10 =	vsel vm1, $0x6, v10;
	vm0 =	vmneg vm8  }
0x8b: {  	v10 =	vnsel vm0, $0x7, v10  }
0x8c: {  	vm9 =	veq.s32 v10, $0x0  }
0x8d: {  	v1 =	vsel vm9, $0xFF800000, v1  }
0x8e: {  	vm10 =	veq.s32 v10, $0x1;
	vm11 =	vgt.f32 v1, $-Inf  }
0x8f: {  	v2 =	vsel vm10, $0xFF800000, v2;
	v1 =	vnsel vm11, $0xFF800000, v1  }
0x90: {  	vm12 =	veq.s32 v10, $0x2;
	vm3 =	vgt.f32 v2, v1  }
0x91: {  	v3 =	vsel vm12, $0xFF800000, v3;
	v1 =	vsel vm3, v2, v1  }
0x92: {  	vm13 =	veq.s32 v10, $0x3;
	vm4 =	vgt.f32 v3, v1  }
0x93: {  	v2 =	vsel vm13, $0xFF800000, v4;
	v1 =	vsel vm4, v3, v1  }
0x94: {  	vm14 =	veq.s32 v10, $0x4;
	vm5 =	vgt.f32 v2, v1  }
0x95: {  	v3 =	vsel vm14, $0xFF800000, v5;
	v1 =	vsel vm5, v2, v1  }
0x96: {  	vm15 =	veq.s32 v10, $0x5;
	vm6 =	vgt.f32 v3, v1  }
0x97: {  	v2 =	vsel vm15, $0xFF800000, v7;
	v1 =	vsel vm6, v3, v1  }
0x98: {  	vm1 =	vmand vm1, vm0;
	vm2 =	vgt.f32 v2, v1  }
0x99: {  	v3 =	vsel vm1, $0xFF800000, v8;
	v1 =	vsel vm2, v2, v1  }
0x9a: {  	vm1 =	vgt.f32 v3, v1  }
0x9b: {  	v2 =	vnsel vm0, $0xFF800000, v9;
	v1 =	vsel vm1, v3, v1  }
0x9c: {  	vm7 =	vgt.f32 v2, v1  }
0x9d: {  	v3 =	vsel vm0, v6, v9;
	v1 =	vsel vm7, v2, v1  }
0x9e: {  	v1 =	vsub.f32 v1, v3;
	_ =	sdelay $0x1  }
0x9f: {  	v1 =	vmul.f32 $1.442695020e+00, v1;
	_ =	sdelay $0x1  }
0xa0: {  	(erf) = vpow2.f32 v1;
	_ =	sdelay $0x8  }
0xa1: {  	v1 =	vpop (erf)  }
0xa2: {  	v2 =	vadd.f32 $1.000000000e+00, v1;
	_ =	sdelay $0x1  }
0xa3: {  	(erf) = vrcp.f32 v2;
	_ =	sdelay $0x2  }
0xa4: {  	v2 =	vsel vm3, $0x1, v0  }
0xa5: {  	v2 =	vsel vm4, $0x2, v2  }
0xa6: {  	v2 =	vsel vm5, $0x3, v2  }
0xa7: {  	s12 =	sshll.u32 s12, $0x5;
	v2 =	vsel vm6, $0x4, v2  }
0xa8: {  	s12 =	sand.u32 $0xFFFFFF00, s12;
	v2 =	vsel vm2, $0x5, v2  }
0xa9: {  	s31 =	sor.u32 s11, s12;
	v2 =	vsel vm1, $0x6, v2  }
0xaa: {  	[tilespmem:s31+$0x2000] =	vst v10;
	v2 =	vsel vm7, $0x7, v2;
	v3 =	vpop (erf)  }
0xab: {  	[tilespmem:s31+$0x2080] =	vst v2;
	v1 =	vmul.f32 v3, v1  }
0xac: {  	[tilespmem:s31+$0x2800] =	vst v3  }
0xad: {  	[tilespmem:s31+$0x2880] =	vst v1  }
0xae: {  	[hbm4b:s4+s2] =	stream.linear.scatter [tilespmem:s8], [sflag:$0x1], $0x800, $0x38;
	[tilespmem:$0x3000] =	vst v63  }
0xaf: {  	s10 =	sadd.s32 $0x1, s10;
	_ =	swait.ge [sflag:s7], $0x800  }
0xb0: {  	p0 =	sne.s32 s10, s6;
	[sflag:s7] =	ssyncset.done $0x0  }
.Ltmp1:
0xb1: {  	[sflag:s7] =	ssyncadd.s32 $0xFFFFF800;
	(pc) =	sbr.rel @p0 .LBB2_1-.Ltmp1, $4  }
0xb2: {  	[hbm4b:s5+s2] =	stream.linear.scatter [tilespmem:s9], [sflag:$0x1], $0x800, $0x38;
	[tilespmem:$0x3000] =	vst v63  }
0xb3: {  	_ =	swait.ge [sflag:s7], $0x800  }
0xb4: {  	[sflag:s7] =	ssyncset.done $0x0  }
0xb5: {  	[sflag:s7] =	ssyncadd.s32 $0xFFFFF800  }
0xb6: {  	_ =	sfence.sel $0x180000  }
0xb7: {  	[bflag:$0x0] =	sbarrier.arrive $0xFFFF  }
0xb8: {  	p0 =	sne.s32 s1, $0x0;
	_ =	strace $0x90000047  }
0xb9: {  	s0 =	sadd.s32 @!p0 $0x100000, s0;
	[bflag:$0x2] =	sbarrier.arrive $0xFFFF  }
0xba: {  	[sflag:s0] =	ssyncadd.tile.s32 @!p0 $0x1;
	_ =	shalt  }
.Lfunc_end2:
_tile_overlayer_lowered:
.L_overlay_start_2:
0xbb: {  	(tag) =	ssettag $0x2  }
0xbc: {  	s0 =	rddreg [dreg:$0x0];
	s2 =	stileid.u32  }
0xbd: {  	s1 =	rddreg [dreg:$0x1];
	p0 =	sne.s32 s2, $0x0  }
0xbe: {  	s3 =	rddreg [dreg:$0x2];
	[bflag:$0x3] =	sbarrier.arrive $0xFFFF;
	s2 =	simm.s32 @!p0 $0x1C01  }
0xbf: {  	[timem:s3], [sflag:s2] =	dma.local @!p0 [hbm:s0], s1  }
0xc0: {  	s0 =	simm.s32 @!p0 $0x1  }
0xc1: {  	_ =	swait.ge @!p0 [sflag:s0], s1  }
0xc2: {  	s1 =	ssub.s32 @!p0 $0x0, s1;
	[sflag:s0] =	ssyncset.done @!p0 $0x0  }
0xc3: {  	[sflag:s0] =	ssyncadd.s32 @!p0 s1  }
0xc4: {  	[bflag:$0x3] =	sbarrier.arrive $0xFFFF  }
0xc5: {  	_ =	shalt  }

</sc_bundles>
